<compile_context>
chip_gen: v7x
topology: tpu7x:2x2x1
jax: 0.10.2.dev20260603
libtpu: 0.0.44.dev20260713+nightly
codegen_flags: <defaults>
</compile_context>

<pallas_src>
import functools

import jax
import jax.numpy as jnp
from jax import lax
from jax.experimental import pallas as pl
from jax.experimental.pallas import tpu as pltpu
from jax.experimental.pallas import tpu_sc as plsc

NC, NS, LANES = 2, 16, 16
NW = NC * NS
CH = 128

_mesh = lambda: plsc.VectorSubcoreMesh(core_axis_name="c", subcore_axis_name="s",
                                       num_cores=NC, num_subcores=NS)


def _deg_call(dst_3d, zeros_1d, n_acc):
    nchunk = dst_3d.shape[1]

    def body(dst_hbm, z_hbm, out_hbm, ones_v, idx_d, acc_sh, sem0, sem1):
        cid = lax.axis_index("c")
        sid = lax.axis_index("s")
        wid = cid * NS + sid
        sems = (sem0, sem1)

        @pl.when(sid == 0)
        def _():
            pltpu.sync_copy(z_hbm, acc_sh)

        for j in range(CH // LANES):
            ones_v[pl.ds(j * LANES, LANES)] = jnp.ones((LANES,), jnp.float32)
        pltpu.sync_copy(dst_hbm.at[wid], idx_d)
        plsc.subcore_barrier()

        pltpu.async_copy(ones_v, acc_sh.at[idx_d.at[0]], sem0, add=True)

        def pair(j, carry):
            for b in (0, 1):
                i = 2 * j + b

                @pl.when(i + 1 < nchunk)
                def _():
                    pltpu.async_copy(ones_v, acc_sh.at[idx_d.at[i + 1]],
                                     sems[1 - b], add=True)

                pltpu.make_async_copy(ones_v, acc_sh.at[idx_d.at[i]],
                                      sems[b]).wait()
            return carry

        lax.fori_loop(0, nchunk // 2, pair, 0)
        plsc.subcore_barrier()

        @pl.when(sid == 0)
        def _():
            pltpu.sync_copy(acc_sh, out_hbm.at[pl.ds(cid * n_acc, n_acc)])

    f = pl.kernel(
        body,
        out_type=jax.ShapeDtypeStruct((NC * n_acc,), jnp.float32),
        mesh=_mesh(),
        scratch_types=[
            pltpu.VMEM((CH,), jnp.float32),
            pltpu.VMEM((nchunk, CH), jnp.int32),
            pltpu.VMEM_SHARED((n_acc,), jnp.float32),
            pltpu.SemaphoreType.DMA,
            pltpu.SemaphoreType.DMA,
        ],
    )
    return f(dst_3d, zeros_1d)


def _conv_call(g, zeros_2d, src_3d, dst_3d, n_acc):
    n, d = g.shape
    nchunk = src_3d.shape[1]

    def body(g_hbm, z_hbm, src_hbm, dst_hbm, out_hbm,
             idx_s, idx_d, rows0, rows1, acc_sh, sg0, sg1, ss0, ss1):
        cid = lax.axis_index("c")
        sid = lax.axis_index("s")
        wid = cid * NS + sid
        rows = (rows0, rows1)
        sg = (sg0, sg1)
        ss = (ss0, ss1)

        @pl.when((sid == 0) & (cid == 0))
        def _():
            pltpu.sync_copy(g_hbm, acc_sh.at[pl.ds(0, n)])

        @pl.when((sid == 0) & (cid != 0))
        def _():
            pltpu.sync_copy(z_hbm, acc_sh.at[pl.ds(0, n)])

        pltpu.sync_copy(src_hbm.at[wid], idx_s)
        pltpu.sync_copy(dst_hbm.at[wid], idx_d)
        plsc.subcore_barrier()

        pltpu.async_copy(g_hbm.at[idx_s.at[0]], rows0, sg0)

        def pair(j, carry):
            for b in (0, 1):
                i = 2 * j + b
                pltpu.make_async_copy(g_hbm.at[idx_s.at[i]], rows[b],
                                      sg[b]).wait()
                pltpu.async_copy(rows[b], acc_sh.at[idx_d.at[i]], ss[b],
                                 add=True)

                @pl.when(i >= 1)
                def _():
                    pltpu.make_async_copy(rows[1 - b],
                                          acc_sh.at[idx_d.at[i]],
                                          ss[1 - b]).wait()

                @pl.when(i + 1 < nchunk)
                def _():
                    pltpu.async_copy(g_hbm.at[idx_s.at[i + 1]], rows[1 - b],
                                     sg[1 - b])
            return carry

        lax.fori_loop(0, nchunk // 2, pair, 0)
        pltpu.make_async_copy(rows1, acc_sh.at[idx_d.at[0]], ss1).wait()
        plsc.subcore_barrier()

        @pl.when(sid == 0)
        def _():
            pltpu.sync_copy(acc_sh.at[pl.ds(0, n)], out_hbm.at[cid])

    f = pl.kernel(
        body,
        out_type=jax.ShapeDtypeStruct((NC, n, d), jnp.float32),
        mesh=_mesh(),
        compiler_params=pltpu.CompilerParams(use_tc_tiling_on_sc=False),
        scratch_types=[
            pltpu.VMEM((nchunk, CH), jnp.int32),
            pltpu.VMEM((nchunk, CH), jnp.int32),
            pltpu.VMEM((CH, d), jnp.float32),
            pltpu.VMEM((CH, d), jnp.float32),
            pltpu.VMEM_SHARED((n_acc, d), jnp.float32),
            pltpu.SemaphoreType.DMA,
            pltpu.SemaphoreType.DMA,
            pltpu.SemaphoreType.DMA,
            pltpu.SemaphoreType.DMA,
        ],
    )
    return f(g, zeros_2d, src_3d, dst_3d)


_BR = 1000


def _tc_first(deg_t, x, w1):
    n, in_dim = x.shape
    d = w1.shape[1]
    grid = (n // _BR,)

    def body(dp_ref, x_ref, w_ref, dis_ref, g_ref):
        dp = dp_ref[...]
        dis = lax.rsqrt(dp[:, :1] + dp[:, 1:] + 1.0)
        dis_ref[...] = dis
        g_ref[...] = dis * jnp.dot(x_ref[...], w_ref[...],
                                   preferred_element_type=jnp.float32)

    return pl.pallas_call(
        body,
        grid=grid,
        in_specs=[
            pl.BlockSpec((_BR, NC), lambda i: (i, 0)),
            pl.BlockSpec((_BR, in_dim), lambda i: (i, 0)),
            pl.BlockSpec((in_dim, d), lambda i: (0, 0)),
        ],
        out_specs=[
            pl.BlockSpec((_BR, 1), lambda i: (i, 0)),
            pl.BlockSpec((_BR, d), lambda i: (i, 0)),
        ],
        out_shape=[
            jax.ShapeDtypeStruct((n, 1), jnp.float32),
            jax.ShapeDtypeStruct((n, d), jnp.float32),
        ],
    )(deg_t, x, w1)


def _tc_mid(p, dis, b, w):
    _, n, d = p.shape
    d2 = w.shape[1]

    def body(p_ref, dis_ref, b_ref, w_ref, g_ref):
        dv = dis_ref[...]
        h = jnp.maximum(dv * (p_ref[0] + p_ref[1]) + b_ref[...], 0.0)
        g_ref[...] = dv * jnp.dot(h, w_ref[...],
                                  preferred_element_type=jnp.float32)

    return pl.pallas_call(
        body,
        grid=(n // _BR,),
        in_specs=[
            pl.BlockSpec((NC, _BR, d), lambda i: (0, i, 0)),
            pl.BlockSpec((_BR, 1), lambda i: (i, 0)),
            pl.BlockSpec((1, d), lambda i: (0, 0)),
            pl.BlockSpec((d, d2), lambda i: (0, 0)),
        ],
        out_specs=pl.BlockSpec((_BR, d2), lambda i: (i, 0)),
        out_shape=jax.ShapeDtypeStruct((n, d2), jnp.float32),
    )(p, dis, b, w)


def _tc_final(p, dis, b):
    _, n, d = p.shape

    def body(p_ref, dis_ref, b_ref, o_ref):
        o_ref[...] = dis_ref[...] * (p_ref[0] + p_ref[1]) + b_ref[...]

    return pl.pallas_call(
        body,
        grid=(n // _BR,),
        in_specs=[
            pl.BlockSpec((NC, _BR, d), lambda i: (0, i, 0)),
            pl.BlockSpec((_BR, 1), lambda i: (i, 0)),
            pl.BlockSpec((1, d), lambda i: (0, 0)),
        ],
        out_specs=pl.BlockSpec((_BR, d), lambda i: (i, 0)),
        out_shape=jax.ShapeDtypeStruct((n, d), jnp.float32),
    )(p, dis, b)


def kernel(x, edge_index, W1, b1, W2, b2, Wmu, bmu, Wlv, blv):
    n = x.shape[0]
    e = edge_index.shape[1]
    d = W1.shape[1]

    e_pad = -(-e // (NW * CH * 2)) * (NW * CH * 2)
    pad = e_pad - e
    nchunk = e_pad // (NW * CH)
    n_acc = n + LANES
    n_acc1 = -(-(n + 1) // 128) * 128

    src = edge_index[0].astype(jnp.int32)
    dst = edge_index[1].astype(jnp.int32)
    src_3d = jnp.concatenate([src, jnp.zeros((pad,), jnp.int32)]
                             ).reshape(NW, nchunk, CH)
    dst_3d = jnp.concatenate([dst, jnp.full((pad,), n, jnp.int32)]
                             ).reshape(NW, nchunk, CH)

    zeros_1d = jnp.zeros((n_acc1,), jnp.float32)
    zeros_2d = jnp.zeros((n, d), jnp.float32)

    deg_p = _deg_call(dst_3d, zeros_1d, n_acc1)
    dis, g1 = _tc_first(deg_p.reshape(NC, n_acc1)[:, :n].T, x, W1)

    p1 = _conv_call(g1, zeros_2d, src_3d, dst_3d, n_acc)
    g2 = _tc_mid(p1, dis, b1.reshape(1, d), W2)

    p2 = _conv_call(g2, zeros_2d, src_3d, dst_3d, n_acc)
    wc = jnp.concatenate([Wmu, Wlv], axis=1)
    g3 = _tc_mid(p2, dis, b2.reshape(1, d), wc)

    p3 = _conv_call(g3, zeros_2d, src_3d, dst_3d, n_acc)
    bc = jnp.concatenate([bmu, blv]).reshape(1, d)
    out = _tc_final(p3, dis, bc)

    z = Wmu.shape[1]
    return (out[:, :z], out[:, z:])

# --- scband reference (transcript-rebuilt; emitter-appended) ---
"""Pipeline reference for scband-encoder-22986664968327 (READ-ONLY COPY).

The authoritative reference and input builder live on the scoring server;
editing this copy changes nothing except your own understanding.
"""

import jax, jax.numpy as jnp
import numpy as np

N_NODES = 10000


def gcn_conv(x, src, dst, norm, W, b, n):
    h = x @ W
    msg = h[src] * norm[:, None]
    out = jax.ops.segment_sum(msg, dst, num_segments=n)
    return out + b


def build_norm(edge_index, n):
    loop = jnp.arange(n, dtype=edge_index.dtype)
    src = jnp.concatenate([edge_index[0], loop])
    dst = jnp.concatenate([edge_index[1], loop])
    ones = jnp.ones(src.shape[0], dtype=jnp.float32)
    deg = jax.ops.segment_sum(ones, dst, num_segments=n)
    dis = jnp.where(deg > 0, deg ** -0.5, 0.0)
    norm = dis[src] * dis[dst]
    return src, dst, norm


def setup_inputs(seed: int = 0) -> dict:
    key = jax.random.key(seed)
    ks = jax.random.split(key, 12)
    n, in_dim, hidden, z_dim = N_NODES, 128, 64, 32
    x = jax.random.normal(ks[0], (n, in_dim), dtype=jnp.float32)
    edge_index = jax.random.randint(ks[1], (2, 320000), 0, n, dtype=jnp.int64)

    def glorot(k, fan_in, fan_out):
        lim = (6.0 / (fan_in + fan_out)) ** 0.5
        return jax.random.uniform(k, (fan_in, fan_out), jnp.float32, -lim, lim)

    return {
        "x": x,
        "edge_index": edge_index,
        "W1": glorot(ks[2], in_dim, hidden),
        "b1": jnp.zeros((hidden,), jnp.float32),
        "W2": glorot(ks[3], hidden, hidden),
        "b2": jnp.zeros((hidden,), jnp.float32),
        "Wmu": glorot(ks[4], hidden, z_dim),
        "bmu": jnp.zeros((z_dim,), jnp.float32),
        "Wlv": glorot(ks[5], hidden, z_dim),
        "blv": jnp.zeros((z_dim,), jnp.float32),
    }


def reference(x, edge_index, W1, b1, W2, b2, Wmu, bmu, Wlv, blv):
    n = x.shape[0]
    src, dst, norm = build_norm(edge_index, n)
    h = gcn_conv(x, src, dst, norm, W1, b1, n)
    h = jax.nn.relu(h)
    h = gcn_conv(h, src, dst, norm, W2, b2, n)
    h = jax.nn.relu(h)
    # dropout p=0.0 -> identity
    mu = gcn_conv(h, src, dst, norm, Wmu, bmu, n)
    logvar = gcn_conv(h, src, dst, norm, Wlv, blv, n)
    return (mu, logvar)

if __name__ == "__main__":
    import jax
    _d = setup_inputs()
    print(jax.jit(kernel)(*tuple(_d.values())))

</pallas_src>

<mosaic_0001>
#map = affine_map<(d0, d1) -> (0, 0)>
#map1 = affine_map<(d0, d1) -> (0, 0, 0)>
module attributes {stable_mosaic.version = 14 : i64} {
  func.func @body(%arg0: i32, %arg1: i32, %arg2: memref<10000x64xf32, #tpu.memory_space<hbm>>, %arg3: memref<10000x64xf32, #tpu.memory_space<hbm>>, %arg4: memref<32x80x128xi32, #tpu.memory_space<hbm>>, %arg5: memref<32x80x128xi32, #tpu.memory_space<hbm>>, %arg6: memref<2x10000x64xf32, #tpu.memory_space<hbm>>, %arg7: memref<80x128xi32, #tpu.memory_space<vmem>>, %arg8: memref<80x128xi32, #tpu.memory_space<vmem>>, %arg9: memref<128x64xf32, #tpu.memory_space<vmem>>, %arg10: memref<128x64xf32, #tpu.memory_space<vmem>>, %arg11: memref<10016x64xf32, #tpu.memory_space<vmem_shared>>, %arg12: memref<!tpu.dma_semaphore, #tpu.memory_space<semaphore_mem>>, %arg13: memref<!tpu.dma_semaphore, #tpu.memory_space<semaphore_mem>>, %arg14: memref<!tpu.dma_semaphore, #tpu.memory_space<semaphore_mem>>, %arg15: memref<!tpu.dma_semaphore, #tpu.memory_space<semaphore_mem>>) attributes {dimension_semantics = [#tpu.dimension_semantics<core_parallel>, #tpu.dimension_semantics<subcore_parallel>], iteration_bounds = array<i64: 2, 16>, scalar_prefetch = 0 : i64, scratch_operands = 9 : i64, tpu.core_type = #tpu.core_type<sc_vector_subcore>, window_params = [{transform_indices = #map}, {transform_indices = #map}, {transform_indices = #map1}, {transform_indices = #map1}, {transform_indices = #map1}]} {
    %mul3A = arith.constant 16 : i32
    %mul3A_0 = arith.muli %arg0, %mul3A : i32
    %add3A = arith.addi %mul3A_0, %arg1 : i32
    %eq3A = arith.constant 0 : i32
    %eq3A_1 = arith.cmpi eq, %arg1, %eq3A : i32
    %eq3A_2 = arith.constant 0 : i32
    %eq3A_3 = arith.cmpi eq, %arg0, %eq3A_2 : i32
    %and3A = arith.andi %eq3A_1, %eq3A_3 : i1
    %convert_element_type3A = arith.extui %and3A : i1 to i32
    %cond3A = arith.constant 0 : i32
    %cond3A_4 = arith.cmpi ne, %convert_element_type3A, %cond3A : i32
    scf.if %cond3A_4 {
      "tpu.region"() ({
        %run_scoped3A = tpu.sem_alloc : memref<!tpu.dma_semaphore, #tpu.memory_space<semaphore_mem>>
        %dma_start3A_35 = arith.constant 0 : i32
        %dma_start3A_36 = arith.constant 0 : i32
        %dma_start3A_37 = tpu.memref_slice %arg11[%dma_start3A_35, %dma_start3A_36] : memref<10016x64xf32, #tpu.memory_space<vmem_shared>> -> memref<10000x64xf32, #tpu.memory_space<vmem_shared>>
        tpu.enqueue_dma source(%arg2 : memref<10000x64xf32, #tpu.memory_space<hbm>>) target(%dma_start3A_37 : memref<10000x64xf32, #tpu.memory_space<vmem_shared>>) target_semaphore(%run_scoped3A : memref<!tpu.dma_semaphore, #tpu.memory_space<semaphore_mem>>)
        %dma_wait3A_38 = arith.constant 0 : i32
        %dma_wait3A_39 = arith.constant 0 : i32
        %dma_wait3A_40 = tpu.memref_slice %arg11[%dma_wait3A_38, %dma_wait3A_39] : memref<10016x64xf32, #tpu.memory_space<vmem_shared>> -> memref<10000x64xf32, #tpu.memory_space<vmem_shared>>
        tpu.wait_dma2 semaphore(%run_scoped3A : memref<!tpu.dma_semaphore, #tpu.memory_space<semaphore_mem>>) src(%arg2 : memref<10000x64xf32, #tpu.memory_space<hbm>>) dst(%dma_wait3A_40 : memref<10000x64xf32, #tpu.memory_space<vmem_shared>>)
        tpu.yield
      }) : () -> ()
    } else {
    }
    %eq3A_5 = arith.constant 0 : i32
    %eq3A_6 = arith.cmpi eq, %arg1, %eq3A_5 : i32
    %ne3A = arith.constant 0 : i32
    %ne3A_7 = arith.cmpi ne, %arg0, %ne3A : i32
    %and3A_8 = arith.andi %eq3A_6, %ne3A_7 : i1
    %convert_element_type3A_9 = arith.extui %and3A_8 : i1 to i32
    %cond3A_10 = arith.constant 0 : i32
    %cond3A_11 = arith.cmpi ne, %convert_element_type3A_9, %cond3A_10 : i32
    scf.if %cond3A_11 {
      "tpu.region"() ({
        %run_scoped3A = tpu.sem_alloc : memref<!tpu.dma_semaphore, #tpu.memory_space<semaphore_mem>>
        %dma_start3A_35 = arith.constant 0 : i32
        %dma_start3A_36 = arith.constant 0 : i32
        %dma_start3A_37 = tpu.memref_slice %arg11[%dma_start3A_35, %dma_start3A_36] : memref<10016x64xf32, #tpu.memory_space<vmem_shared>> -> memref<10000x64xf32, #tpu.memory_space<vmem_shared>>
        tpu.enqueue_dma source(%arg3 : memref<10000x64xf32, #tpu.memory_space<hbm>>) target(%dma_start3A_37 : memref<10000x64xf32, #tpu.memory_space<vmem_shared>>) target_semaphore(%run_scoped3A : memref<!tpu.dma_semaphore, #tpu.memory_space<semaphore_mem>>)
        %dma_wait3A_38 = arith.constant 0 : i32
        %dma_wait3A_39 = arith.constant 0 : i32
        %dma_wait3A_40 = tpu.memref_slice %arg11[%dma_wait3A_38, %dma_wait3A_39] : memref<10016x64xf32, #tpu.memory_space<vmem_shared>> -> memref<10000x64xf32, #tpu.memory_space<vmem_shared>>
        tpu.wait_dma2 semaphore(%run_scoped3A : memref<!tpu.dma_semaphore, #tpu.memory_space<semaphore_mem>>) src(%arg3 : memref<10000x64xf32, #tpu.memory_space<hbm>>) dst(%dma_wait3A_40 : memref<10000x64xf32, #tpu.memory_space<vmem_shared>>)
        tpu.yield
      }) : () -> ()
    } else {
    }
    "tpu.region"() ({
      %run_scoped3A = tpu.sem_alloc : memref<!tpu.dma_semaphore, #tpu.memory_space<semaphore_mem>>
      %dma_start3A_35 = arith.constant 0 : i32
      %dma_start3A_36 = arith.constant 0 : i32
      %dma_start3A_37 = tpu.memref_slice %arg4[%add3A, %dma_start3A_35, %dma_start3A_36] : memref<32x80x128xi32, #tpu.memory_space<hbm>> -> memref<1x80x128xi32, #tpu.memory_space<hbm>>
      %dma_start3A_38 = tpu.memref_squeeze %dma_start3A_37 : memref<1x80x128xi32, #tpu.memory_space<hbm>> -> memref<80x128xi32, #tpu.memory_space<hbm>>
      %dma_start3A_39 = arith.constant 0 : i32
      %dma_start3A_40 = arith.constant 0 : i32
      %dma_start3A_41 = tpu.memref_slice %arg4[%add3A, %dma_start3A_39, %dma_start3A_40] : memref<32x80x128xi32, #tpu.memory_space<hbm>> -> memref<1x80x128xi32, #tpu.memory_space<hbm>>
      %dma_start3A_42 = tpu.memref_squeeze %dma_start3A_41 : memref<1x80x128xi32, #tpu.memory_space<hbm>> -> memref<80x128xi32, #tpu.memory_space<hbm>>
      tpu.enqueue_dma source(%dma_start3A_42 : memref<80x128xi32, #tpu.memory_space<hbm>>) target(%arg7 : memref<80x128xi32, #tpu.memory_space<vmem>>) target_semaphore(%run_scoped3A : memref<!tpu.dma_semaphore, #tpu.memory_space<semaphore_mem>>)
      %dma_wait3A_43 = arith.constant 0 : i32
      %dma_wait3A_44 = arith.constant 0 : i32
      %dma_wait3A_45 = tpu.memref_slice %arg4[%add3A, %dma_wait3A_43, %dma_wait3A_44] : memref<32x80x128xi32, #tpu.memory_space<hbm>> -> memref<1x80x128xi32, #tpu.memory_space<hbm>>
      %dma_wait3A_46 = tpu.memref_squeeze %dma_wait3A_45 : memref<1x80x128xi32, #tpu.memory_space<hbm>> -> memref<80x128xi32, #tpu.memory_space<hbm>>
      %dma_wait3A_47 = arith.constant 0 : i32
      %dma_wait3A_48 = arith.constant 0 : i32
      %dma_wait3A_49 = tpu.memref_slice %arg4[%add3A, %dma_wait3A_47, %dma_wait3A_48] : memref<32x80x128xi32, #tpu.memory_space<hbm>> -> memref<1x80x128xi32, #tpu.memory_space<hbm>>
      %dma_wait3A_50 = tpu.memref_squeeze %dma_wait3A_49 : memref<1x80x128xi32, #tpu.memory_space<hbm>> -> memref<80x128xi32, #tpu.memory_space<hbm>>
      tpu.wait_dma2 semaphore(%run_scoped3A : memref<!tpu.dma_semaphore, #tpu.memory_space<semaphore_mem>>) src(%dma_wait3A_50 : memref<80x128xi32, #tpu.memory_space<hbm>>) dst(%arg7 : memref<80x128xi32, #tpu.memory_space<vmem>>)
      tpu.yield
    }) : () -> ()
    "tpu.region"() ({
      %run_scoped3A = tpu.sem_alloc : memref<!tpu.dma_semaphore, #tpu.memory_space<semaphore_mem>>
      %dma_start3A_35 = arith.constant 0 : i32
      %dma_start3A_36 = arith.constant 0 : i32
      %dma_start3A_37 = tpu.memref_slice %arg5[%add3A, %dma_start3A_35, %dma_start3A_36] : memref<32x80x128xi32, #tpu.memory_space<hbm>> -> memref<1x80x128xi32, #tpu.memory_space<hbm>>
      %dma_start3A_38 = tpu.memref_squeeze %dma_start3A_37 : memref<1x80x128xi32, #tpu.memory_space<hbm>> -> memref<80x128xi32, #tpu.memory_space<hbm>>
      %dma_start3A_39 = arith.constant 0 : i32
      %dma_start3A_40 = arith.constant 0 : i32
      %dma_start3A_41 = tpu.memref_slice %arg5[%add3A, %dma_start3A_39, %dma_start3A_40] : memref<32x80x128xi32, #tpu.memory_space<hbm>> -> memref<1x80x128xi32, #tpu.memory_space<hbm>>
      %dma_start3A_42 = tpu.memref_squeeze %dma_start3A_41 : memref<1x80x128xi32, #tpu.memory_space<hbm>> -> memref<80x128xi32, #tpu.memory_space<hbm>>
      tpu.enqueue_dma source(%dma_start3A_42 : memref<80x128xi32, #tpu.memory_space<hbm>>) target(%arg8 : memref<80x128xi32, #tpu.memory_space<vmem>>) target_semaphore(%run_scoped3A : memref<!tpu.dma_semaphore, #tpu.memory_space<semaphore_mem>>)
      %dma_wait3A_43 = arith.constant 0 : i32
      %dma_wait3A_44 = arith.constant 0 : i32
      %dma_wait3A_45 = tpu.memref_slice %arg5[%add3A, %dma_wait3A_43, %dma_wait3A_44] : memref<32x80x128xi32, #tpu.memory_space<hbm>> -> memref<1x80x128xi32, #tpu.memory_space<hbm>>
      %dma_wait3A_46 = tpu.memref_squeeze %dma_wait3A_45 : memref<1x80x128xi32, #tpu.memory_space<hbm>> -> memref<80x128xi32, #tpu.memory_space<hbm>>
      %dma_wait3A_47 = arith.constant 0 : i32
      %dma_wait3A_48 = arith.constant 0 : i32
      %dma_wait3A_49 = tpu.memref_slice %arg5[%add3A, %dma_wait3A_47, %dma_wait3A_48] : memref<32x80x128xi32, #tpu.memory_space<hbm>> -> memref<1x80x128xi32, #tpu.memory_space<hbm>>
      %dma_wait3A_50 = tpu.memref_squeeze %dma_wait3A_49 : memref<1x80x128xi32, #tpu.memory_space<hbm>> -> memref<80x128xi32, #tpu.memory_space<hbm>>
      tpu.wait_dma2 semaphore(%run_scoped3A : memref<!tpu.dma_semaphore, #tpu.memory_space<semaphore_mem>>) src(%dma_wait3A_50 : memref<80x128xi32, #tpu.memory_space<hbm>>) dst(%arg8 : memref<80x128xi32, #tpu.memory_space<vmem>>)
      tpu.yield
    }) : () -> ()
    %barrier3A = arith.constant 0 : index
    tpu.barrier barrier_id(%barrier3A)
    %dma_start3A = arith.constant 0 : i32
    %dma_start3A_12 = arith.constant 0 : i32
    %dma_start3A_13 = tpu.memref_slice %arg7[%dma_start3A, %dma_start3A_12] : memref<80x128xi32, #tpu.memory_space<vmem>> -> memref<1x128xi32, #tpu.memory_space<vmem>>
    %dma_start3A_14 = tpu.memref_squeeze %dma_start3A_13 : memref<1x128xi32, #tpu.memory_space<vmem>> -> memref<128xi32, #tpu.memory_space<vmem>>
    %dma_start3A_15 = arith.constant 0 : i32
    %dma_start3A_16 = arith.constant 0 : i32
    %dma_start3A_17 = tpu.memref_slice %arg2[%dma_start3A_15, %dma_start3A_16] : memref<10000x64xf32, #tpu.memory_space<hbm>> -> memref<10000x64xf32, #tpu.memory_space<hbm>>
    tpu.enqueue_indirect_dma source(%dma_start3A_17 : memref<10000x64xf32, #tpu.memory_space<hbm>>) target(%arg9 : memref<128x64xf32, #tpu.memory_space<vmem>>) offsets(%dma_start3A_14 : memref<128xi32, #tpu.memory_space<vmem>>) semaphore(%arg12 : memref<!tpu.dma_semaphore, #tpu.memory_space<semaphore_mem>>)
    %scan3A = arith.constant 0 : i32
    %scan3A_18 = arith.constant 0 : i32
    %scan3A_19 = arith.constant 40 : i32
    %scan3A_20 = arith.addi %scan3A_18, %scan3A_19 : i32
    %scan3A_21 = arith.constant 1 : i32
    scf.for %scan3A_35 = %scan3A_18 to %scan3A_20 step %scan3A_21  : i32 {
      %mul3A_36 = arith.constant 2 : i32
      %mul3A_37 = arith.muli %mul3A_36, %scan3A_35 : i32
      %add3A_38 = arith.constant 0 : i32
      %add3A_39 = arith.addi %mul3A_37, %add3A_38 : i32
      %dma_wait3A_40 = arith.constant 0 : i32
      %dma_wait3A_41 = tpu.memref_slice %arg7[%add3A_39, %dma_wait3A_40] : memref<80x128xi32, #tpu.memory_space<vmem>> -> memref<1x128xi32, #tpu.memory_space<vmem>>
      %dma_wait3A_42 = tpu.memref_squeeze %dma_wait3A_41 : memref<1x128xi32, #tpu.memory_space<vmem>> -> memref<128xi32, #tpu.memory_space<vmem>>
      %dma_wait3A_43 = arith.constant 0 : i32
      %dma_wait3A_44 = arith.constant 0 : i32
      %dma_wait3A_45 = tpu.memref_slice %arg2[%dma_wait3A_43, %dma_wait3A_44] : memref<10000x64xf32, #tpu.memory_space<hbm>> -> memref<10000x64xf32, #tpu.memory_space<hbm>>
      tpu.wait_indirect_dma semaphore(%arg12 : memref<!tpu.dma_semaphore, #tpu.memory_space<semaphore_mem>>) src(%dma_wait3A_45 : memref<10000x64xf32, #tpu.memory_space<hbm>>) dst(%arg9 : memref<128x64xf32, #tpu.memory_space<vmem>>)
      %dma_start3A_46 = arith.constant 0 : i32
      %dma_start3A_47 = tpu.memref_slice %arg8[%add3A_39, %dma_start3A_46] : memref<80x128xi32, #tpu.memory_space<vmem>> -> memref<1x128xi32, #tpu.memory_space<vmem>>
      %dma_start3A_48 = tpu.memref_squeeze %dma_start3A_47 : memref<1x128xi32, #tpu.memory_space<vmem>> -> memref<128xi32, #tpu.memory_space<vmem>>
      %dma_start3A_49 = arith.constant 0 : i32
      %dma_start3A_50 = arith.constant 0 : i32
      %dma_start3A_51 = tpu.memref_slice %arg11[%dma_start3A_49, %dma_start3A_50] : memref<10016x64xf32, #tpu.memory_space<vmem_shared>> -> memref<10016x64xf32, #tpu.memory_space<vmem_shared>>
      tpu.enqueue_indirect_dma source(%arg9 : memref<128x64xf32, #tpu.memory_space<vmem>>) target(%dma_start3A_51 : memref<10016x64xf32, #tpu.memory_space<vmem_shared>>) offsets(%dma_start3A_48 : memref<128xi32, #tpu.memory_space<vmem>>) semaphore(%arg14 : memref<!tpu.dma_semaphore, #tpu.memory_space<semaphore_mem>>) {add = true}
      %ge3A = arith.constant 1 : i32
      %ge3A_52 = arith.cmpi sge, %add3A_39, %ge3A : i32
      %convert_element_type3A_53 = arith.extui %ge3A_52 : i1 to i32
      %cond3A_54 = arith.constant 0 : i32
      %cond3A_55 = arith.cmpi ne, %convert_element_type3A_53, %cond3A_54 : i32
      scf.if %cond3A_55 {
        %dma_wait3A_90 = arith.constant 0 : i32
        %dma_wait3A_91 = tpu.memref_slice %arg8[%add3A_39, %dma_wait3A_90] : memref<80x128xi32, #tpu.memory_space<vmem>> -> memref<1x128xi32, #tpu.memory_space<vmem>>
        %dma_wait3A_92 = tpu.memref_squeeze %dma_wait3A_91 : memref<1x128xi32, #tpu.memory_space<vmem>> -> memref<128xi32, #tpu.memory_space<vmem>>
        %dma_wait3A_93 = arith.constant 0 : i32
        %dma_wait3A_94 = arith.constant 0 : i32
        %dma_wait3A_95 = tpu.memref_slice %arg11[%dma_wait3A_93, %dma_wait3A_94] : memref<10016x64xf32, #tpu.memory_space<vmem_shared>> -> memref<10016x64xf32, #tpu.memory_space<vmem_shared>>
        tpu.wait_indirect_dma semaphore(%arg15 : memref<!tpu.dma_semaphore, #tpu.memory_space<semaphore_mem>>) src(%arg10 : memref<128x64xf32, #tpu.memory_space<vmem>>) dst(%dma_wait3A_95 : memref<10016x64xf32, #tpu.memory_space<vmem_shared>>)
      } else {
      }
      %add3A_56 = arith.constant 1 : i32
      %add3A_57 = arith.addi %add3A_39, %add3A_56 : i32
      %lt3A = arith.constant 80 : i32
      %lt3A_58 = arith.cmpi slt, %add3A_57, %lt3A : i32
      %convert_element_type3A_59 = arith.extui %lt3A_58 : i1 to i32
      %cond3A_60 = arith.constant 0 : i32
      %cond3A_61 = arith.cmpi ne, %convert_element_type3A_59, %cond3A_60 : i32
      scf.if %cond3A_61 {
        %add3A_90 = arith.constant 1 : i32
        %add3A_91 = arith.addi %add3A_39, %add3A_90 : i32
        %dma_start3A_92 = arith.constant 0 : i32
        %dma_start3A_93 = tpu.memref_slice %arg7[%add3A_91, %dma_start3A_92] : memref<80x128xi32, #tpu.memory_space<vmem>> -> memref<1x128xi32, #tpu.memory_space<vmem>>
        %dma_start3A_94 = tpu.memref_squeeze %dma_start3A_93 : memref<1x128xi32, #tpu.memory_space<vmem>> -> memref<128xi32, #tpu.memory_space<vmem>>
        %dma_start3A_95 = arith.constant 0 : i32
        %dma_start3A_96 = arith.constant 0 : i32
        %dma_start3A_97 = tpu.memref_slice %arg2[%dma_start3A_95, %dma_start3A_96] : memref<10000x64xf32, #tpu.memory_space<hbm>> -> memref<10000x64xf32, #tpu.memory_space<hbm>>
        tpu.enqueue_indirect_dma source(%dma_start3A_97 : memref<10000x64xf32, #tpu.memory_space<hbm>>) target(%arg10 : memref<128x64xf32, #tpu.memory_space<vmem>>) offsets(%dma_start3A_94 : memref<128xi32, #tpu.memory_space<vmem>>) semaphore(%arg13 : memref<!tpu.dma_semaphore, #tpu.memory_space<semaphore_mem>>)
      } else {
      }
      %mul3A_62 = arith.constant 2 : i32
      %mul3A_63 = arith.muli %mul3A_62, %scan3A_35 : i32
      %add3A_64 = arith.constant 1 : i32
      %add3A_65 = arith.addi %mul3A_63, %add3A_64 : i32
      %dma_wait3A_66 = arith.constant 0 : i32
      %dma_wait3A_67 = tpu.memref_slice %arg7[%add3A_65, %dma_wait3A_66] : memref<80x128xi32, #tpu.memory_space<vmem>> -> memref<1x128xi32, #tpu.memory_space<vmem>>
      %dma_wait3A_68 = tpu.memref_squeeze %dma_wait3A_67 : memref<1x128xi32, #tpu.memory_space<vmem>> -> memref<128xi32, #tpu.memory_space<vmem>>
      %dma_wait3A_69 = arith.constant 0 : i32
      %dma_wait3A_70 = arith.constant 0 : i32
      %dma_wait3A_71 = tpu.memref_slice %arg2[%dma_wait3A_69, %dma_wait3A_70] : memref<10000x64xf32, #tpu.memory_space<hbm>> -> memref<10000x64xf32, #tpu.memory_space<hbm>>
      tpu.wait_indirect_dma semaphore(%arg13 : memref<!tpu.dma_semaphore, #tpu.memory_space<semaphore_mem>>) src(%dma_wait3A_71 : memref<10000x64xf32, #tpu.memory_space<hbm>>) dst(%arg10 : memref<128x64xf32, #tpu.memory_space<vmem>>)
      %dma_start3A_72 = arith.constant 0 : i32
      %dma_start3A_73 = tpu.memref_slice %arg8[%add3A_65, %dma_start3A_72] : memref<80x128xi32, #tpu.memory_space<vmem>> -> memref<1x128xi32, #tpu.memory_space<vmem>>
      %dma_start3A_74 = tpu.memref_squeeze %dma_start3A_73 : memref<1x128xi32, #tpu.memory_space<vmem>> -> memref<128xi32, #tpu.memory_space<vmem>>
      %dma_start3A_75 = arith.constant 0 : i32
      %dma_start3A_76 = arith.constant 0 : i32
      %dma_start3A_77 = tpu.memref_slice %arg11[%dma_start3A_75, %dma_start3A_76] : memref<10016x64xf32, #tpu.memory_space<vmem_shared>> -> memref<10016x64xf32, #tpu.memory_space<vmem_shared>>
      tpu.enqueue_indirect_dma source(%arg10 : memref<128x64xf32, #tpu.memory_space<vmem>>) target(%dma_start3A_77 : memref<10016x64xf32, #tpu.memory_space<vmem_shared>>) offsets(%dma_start3A_74 : memref<128xi32, #tpu.memory_space<vmem>>) semaphore(%arg15 : memref<!tpu.dma_semaphore, #tpu.memory_space<semaphore_mem>>) {add = true}
      %ge3A_78 = arith.constant 1 : i32
      %ge3A_79 = arith.cmpi sge, %add3A_65, %ge3A_78 : i32
      %convert_element_type3A_80 = arith.extui %ge3A_79 : i1 to i32
      %cond3A_81 = arith.constant 0 : i32
      %cond3A_82 = arith.cmpi ne, %convert_element_type3A_80, %cond3A_81 : i32
      scf.if %cond3A_82 {
        %dma_wait3A_90 = arith.constant 0 : i32
        %dma_wait3A_91 = tpu.memref_slice %arg8[%add3A_65, %dma_wait3A_90] : memref<80x128xi32, #tpu.memory_space<vmem>> -> memref<1x128xi32, #tpu.memory_space<vmem>>
        %dma_wait3A_92 = tpu.memref_squeeze %dma_wait3A_91 : memref<1x128xi32, #tpu.memory_space<vmem>> -> memref<128xi32, #tpu.memory_space<vmem>>
        %dma_wait3A_93 = arith.constant 0 : i32
        %dma_wait3A_94 = arith.constant 0 : i32
        %dma_wait3A_95 = tpu.memref_slice %arg11[%dma_wait3A_93, %dma_wait3A_94] : memref<10016x64xf32, #tpu.memory_space<vmem_shared>> -> memref<10016x64xf32, #tpu.memory_space<vmem_shared>>
        tpu.wait_indirect_dma semaphore(%arg14 : memref<!tpu.dma_semaphore, #tpu.memory_space<semaphore_mem>>) src(%arg9 : memref<128x64xf32, #tpu.memory_space<vmem>>) dst(%dma_wait3A_95 : memref<10016x64xf32, #tpu.memory_space<vmem_shared>>)
      } else {
      }
      %add3A_83 = arith.constant 1 : i32
      %add3A_84 = arith.addi %add3A_65, %add3A_83 : i32
      %lt3A_85 = arith.constant 80 : i32
      %lt3A_86 = arith.cmpi slt, %add3A_84, %lt3A_85 : i32
      %convert_element_type3A_87 = arith.extui %lt3A_86 : i1 to i32
      %cond3A_88 = arith.constant 0 : i32
      %cond3A_89 = arith.cmpi ne, %convert_element_type3A_87, %cond3A_88 : i32
      scf.if %cond3A_89 {
        %add3A_90 = arith.constant 1 : i32
        %add3A_91 = arith.addi %add3A_65, %add3A_90 : i32
        %dma_start3A_92 = arith.constant 0 : i32
        %dma_start3A_93 = tpu.memref_slice %arg7[%add3A_91, %dma_start3A_92] : memref<80x128xi32, #tpu.memory_space<vmem>> -> memref<1x128xi32, #tpu.memory_space<vmem>>
        %dma_start3A_94 = tpu.memref_squeeze %dma_start3A_93 : memref<1x128xi32, #tpu.memory_space<vmem>> -> memref<128xi32, #tpu.memory_space<vmem>>
        %dma_start3A_95 = arith.constant 0 : i32
        %dma_start3A_96 = arith.constant 0 : i32
        %dma_start3A_97 = tpu.memref_slice %arg2[%dma_start3A_95, %dma_start3A_96] : memref<10000x64xf32, #tpu.memory_space<hbm>> -> memref<10000x64xf32, #tpu.memory_space<hbm>>
        tpu.enqueue_indirect_dma source(%dma_start3A_97 : memref<10000x64xf32, #tpu.memory_space<hbm>>) target(%arg9 : memref<128x64xf32, #tpu.memory_space<vmem>>) offsets(%dma_start3A_94 : memref<128xi32, #tpu.memory_space<vmem>>) semaphore(%arg12 : memref<!tpu.dma_semaphore, #tpu.memory_space<semaphore_mem>>)
      } else {
      }
    }
    %scan3A_22 = arith.constant 40 : i32
    %dma_wait3A = arith.constant 0 : i32
    %dma_wait3A_23 = arith.constant 0 : i32
    %dma_wait3A_24 = tpu.memref_slice %arg8[%dma_wait3A, %dma_wait3A_23] : memref<80x128xi32, #tpu.memory_space<vmem>> -> memref<1x128xi32, #tpu.memory_space<vmem>>
    %dma_wait3A_25 = tpu.memref_squeeze %dma_wait3A_24 : memref<1x128xi32, #tpu.memory_space<vmem>> -> memref<128xi32, #tpu.memory_space<vmem>>
    %dma_wait3A_26 = arith.constant 0 : i32
    %dma_wait3A_27 = arith.constant 0 : i32
    %dma_wait3A_28 = tpu.memref_slice %arg11[%dma_wait3A_26, %dma_wait3A_27] : memref<10016x64xf32, #tpu.memory_space<vmem_shared>> -> memref<10016x64xf32, #tpu.memory_space<vmem_shared>>
    tpu.wait_indirect_dma semaphore(%arg15 : memref<!tpu.dma_semaphore, #tpu.memory_space<semaphore_mem>>) src(%arg10 : memref<128x64xf32, #tpu.memory_space<vmem>>) dst(%dma_wait3A_28 : memref<10016x64xf32, #tpu.memory_space<vmem_shared>>)
    %barrier3A_29 = arith.constant 0 : index
    tpu.barrier barrier_id(%barrier3A_29)
    %eq3A_30 = arith.constant 0 : i32
    %eq3A_31 = arith.cmpi eq, %arg1, %eq3A_30 : i32
    %convert_element_type3A_32 = arith.extui %eq3A_31 : i1 to i32
    %cond3A_33 = arith.constant 0 : i32
    %cond3A_34 = arith.cmpi ne, %convert_element_type3A_32, %cond3A_33 : i32
    scf.if %cond3A_34 {
      "tpu.region"() ({
        %run_scoped3A = tpu.sem_alloc : memref<!tpu.dma_semaphore, #tpu.memory_space<semaphore_mem>>
        %dma_start3A_35 = arith.constant 0 : i32
        %dma_start3A_36 = arith.constant 0 : i32
        %dma_start3A_37 = tpu.memref_slice %arg6[%arg0, %dma_start3A_35, %dma_start3A_36] : memref<2x10000x64xf32, #tpu.memory_space<hbm>> -> memref<1x10000x64xf32, #tpu.memory_space<hbm>>
        %dma_start3A_38 = tpu.memref_squeeze %dma_start3A_37 : memref<1x10000x64xf32, #tpu.memory_space<hbm>> -> memref<10000x64xf32, #tpu.memory_space<hbm>>
        %dma_start3A_39 = arith.constant 0 : i32
        %dma_start3A_40 = arith.constant 0 : i32
        %dma_start3A_41 = tpu.memref_slice %arg11[%dma_start3A_39, %dma_start3A_40] : memref<10016x64xf32, #tpu.memory_space<vmem_shared>> -> memref<10000x64xf32, #tpu.memory_space<vmem_shared>>
        tpu.enqueue_dma source(%dma_start3A_41 : memref<10000x64xf32, #tpu.memory_space<vmem_shared>>) target(%dma_start3A_38 : memref<10000x64xf32, #tpu.memory_space<hbm>>) target_semaphore(%run_scoped3A : memref<!tpu.dma_semaphore, #tpu.memory_space<semaphore_mem>>)
        %dma_wait3A_42 = arith.constant 0 : i32
        %dma_wait3A_43 = arith.constant 0 : i32
        %dma_wait3A_44 = tpu.memref_slice %arg6[%arg0, %dma_wait3A_42, %dma_wait3A_43] : memref<2x10000x64xf32, #tpu.memory_space<hbm>> -> memref<1x10000x64xf32, #tpu.memory_space<hbm>>
        %dma_wait3A_45 = tpu.memref_squeeze %dma_wait3A_44 : memref<1x10000x64xf32, #tpu.memory_space<hbm>> -> memref<10000x64xf32, #tpu.memory_space<hbm>>
        %dma_wait3A_46 = arith.constant 0 : i32
        %dma_wait3A_47 = arith.constant 0 : i32
        %dma_wait3A_48 = tpu.memref_slice %arg11[%dma_wait3A_46, %dma_wait3A_47] : memref<10016x64xf32, #tpu.memory_space<vmem_shared>> -> memref<10000x64xf32, #tpu.memory_space<vmem_shared>>
        tpu.wait_dma2 semaphore(%run_scoped3A : memref<!tpu.dma_semaphore, #tpu.memory_space<semaphore_mem>>) src(%dma_wait3A_48 : memref<10000x64xf32, #tpu.memory_space<vmem_shared>>) dst(%dma_wait3A_45 : memref<10000x64xf32, #tpu.memory_space<hbm>>)
        tpu.yield
      }) : () -> ()
    } else {
    }
    return
  }
}

#map = affine_map<(d0, d1) -> (0, 0, 0)>
#map1 = affine_map<(d0, d1) -> (0)>
module attributes {stable_mosaic.version = 14 : i64} {
  func.func @body(%arg0: i32, %arg1: i32, %arg2: memref<32x80x128xi32, #tpu.memory_space<hbm>>, %arg3: memref<10112xf32, #tpu.memory_space<hbm>>, %arg4: memref<20224xf32, #tpu.memory_space<hbm>>, %arg5: memref<128xf32, #tpu.memory_space<vmem>>, %arg6: memref<80x128xi32, #tpu.memory_space<vmem>>, %arg7: memref<10112xf32, #tpu.memory_space<vmem_shared>>, %arg8: memref<!tpu.dma_semaphore, #tpu.memory_space<semaphore_mem>>, %arg9: memref<!tpu.dma_semaphore, #tpu.memory_space<semaphore_mem>>) attributes {dimension_semantics = [#tpu.dimension_semantics<core_parallel>, #tpu.dimension_semantics<subcore_parallel>], iteration_bounds = array<i64: 2, 16>, scalar_prefetch = 0 : i64, scratch_operands = 5 : i64, tpu.core_type = #tpu.core_type<sc_vector_subcore>, window_params = [{transform_indices = #map}, {transform_indices = #map1}, {transform_indices = #map1}]} {
    %mul3A = arith.constant 16 : i32
    %mul3A_0 = arith.muli %arg0, %mul3A : i32
    %add3A = arith.addi %mul3A_0, %arg1 : i32
    %eq3A = arith.constant 0 : i32
    %eq3A_1 = arith.cmpi eq, %arg1, %eq3A : i32
    %convert_element_type3A = arith.extui %eq3A_1 : i1 to i32
    %cond3A = arith.constant 0 : i32
    %cond3A_2 = arith.cmpi ne, %convert_element_type3A, %cond3A : i32
    scf.if %cond3A_2 {
      "tpu.region"() ({
        %run_scoped3A = tpu.sem_alloc : memref<!tpu.dma_semaphore, #tpu.memory_space<semaphore_mem>>
        tpu.enqueue_dma source(%arg3 : memref<10112xf32, #tpu.memory_space<hbm>>) target(%arg7 : memref<10112xf32, #tpu.memory_space<vmem_shared>>) target_semaphore(%run_scoped3A : memref<!tpu.dma_semaphore, #tpu.memory_space<semaphore_mem>>)
        tpu.wait_dma2 semaphore(%run_scoped3A : memref<!tpu.dma_semaphore, #tpu.memory_space<semaphore_mem>>) src(%arg3 : memref<10112xf32, #tpu.memory_space<hbm>>) dst(%arg7 : memref<10112xf32, #tpu.memory_space<vmem_shared>>)
        tpu.yield
      }) : () -> ()
    } else {
    }
    %broadcast_in_dim3A = arith.constant 1.000000e+00 : f32
    %broadcast_in_dim3A_3 = vector.broadcast %broadcast_in_dim3A : f32 to vector<16xf32>
    %swap3A = arith.constant 0 : index
    %swap3A_4 = tpu.vector_load %arg5[%swap3A] {strides = array<i32>} : memref<128xf32, #tpu.memory_space<vmem>>, vector<16xf32>,
    %swap3A_5 = vector.shape_cast %swap3A_4 : vector<16xf32> to vector<16xf32>
    %swap3A_6 = vector.shape_cast %broadcast_in_dim3A_3 : vector<16xf32> to vector<16xf32>
    tpu.vector_store %arg5[%swap3A], %swap3A_6 {strides = array<i32>} : memref<128xf32, #tpu.memory_space<vmem>>, vector<16xf32>,
    %broadcast_in_dim3A_7 = arith.constant 1.000000e+00 : f32
    %broadcast_in_dim3A_8 = vector.broadcast %broadcast_in_dim3A_7 : f32 to vector<16xf32>
    %swap3A_9 = arith.constant 16 : index
    %swap3A_10 = tpu.vector_load %arg5[%swap3A_9] {strides = array<i32>} : memref<128xf32, #tpu.memory_space<vmem>>, vector<16xf32>,
    %swap3A_11 = vector.shape_cast %swap3A_10 : vector<16xf32> to vector<16xf32>
    %swap3A_12 = vector.shape_cast %broadcast_in_dim3A_8 : vector<16xf32> to vector<16xf32>
    tpu.vector_store %arg5[%swap3A_9], %swap3A_12 {strides = array<i32>} : memref<128xf32, #tpu.memory_space<vmem>>, vector<16xf32>,
    %broadcast_in_dim3A_13 = arith.constant 1.000000e+00 : f32
    %broadcast_in_dim3A_14 = vector.broadcast %broadcast_in_dim3A_13 : f32 to vector<16xf32>
    %swap3A_15 = arith.constant 32 : index
    %swap3A_16 = tpu.vector_load %arg5[%swap3A_15] {strides = array<i32>} : memref<128xf32, #tpu.memory_space<vmem>>, vector<16xf32>,
    %swap3A_17 = vector.shape_cast %swap3A_16 : vector<16xf32> to vector<16xf32>
    %swap3A_18 = vector.shape_cast %broadcast_in_dim3A_14 : vector<16xf32> to vector<16xf32>
    tpu.vector_store %arg5[%swap3A_15], %swap3A_18 {strides = array<i32>} : memref<128xf32, #tpu.memory_space<vmem>>, vector<16xf32>,
    %broadcast_in_dim3A_19 = arith.constant 1.000000e+00 : f32
    %broadcast_in_dim3A_20 = vector.broadcast %broadcast_in_dim3A_19 : f32 to vector<16xf32>
    %swap3A_21 = arith.constant 48 : index
    %swap3A_22 = tpu.vector_load %arg5[%swap3A_21] {strides = array<i32>} : memref<128xf32, #tpu.memory_space<vmem>>, vector<16xf32>,
    %swap3A_23 = vector.shape_cast %swap3A_22 : vector<16xf32> to vector<16xf32>
    %swap3A_24 = vector.shape_cast %broadcast_in_dim3A_20 : vector<16xf32> to vector<16xf32>
    tpu.vector_store %arg5[%swap3A_21], %swap3A_24 {strides = array<i32>} : memref<128xf32, #tpu.memory_space<vmem>>, vector<16xf32>,
    %broadcast_in_dim3A_25 = arith.constant 1.000000e+00 : f32
    %broadcast_in_dim3A_26 = vector.broadcast %broadcast_in_dim3A_25 : f32 to vector<16xf32>
    %swap3A_27 = arith.constant 64 : index
    %swap3A_28 = tpu.vector_load %arg5[%swap3A_27] {strides = array<i32>} : memref<128xf32, #tpu.memory_space<vmem>>, vector<16xf32>,
    %swap3A_29 = vector.shape_cast %swap3A_28 : vector<16xf32> to vector<16xf32>
    %swap3A_30 = vector.shape_cast %broadcast_in_dim3A_26 : vector<16xf32> to vector<16xf32>
    tpu.vector_store %arg5[%swap3A_27], %swap3A_30 {strides = array<i32>} : memref<128xf32, #tpu.memory_space<vmem>>, vector<16xf32>,
    %broadcast_in_dim3A_31 = arith.constant 1.000000e+00 : f32
    %broadcast_in_dim3A_32 = vector.broadcast %broadcast_in_dim3A_31 : f32 to vector<16xf32>
    %swap3A_33 = arith.constant 80 : index
    %swap3A_34 = tpu.vector_load %arg5[%swap3A_33] {strides = array<i32>} : memref<128xf32, #tpu.memory_space<vmem>>, vector<16xf32>,
    %swap3A_35 = vector.shape_cast %swap3A_34 : vector<16xf32> to vector<16xf32>
    %swap3A_36 = vector.shape_cast %broadcast_in_dim3A_32 : vector<16xf32> to vector<16xf32>
    tpu.vector_store %arg5[%swap3A_33], %swap3A_36 {strides = array<i32>} : memref<128xf32, #tpu.memory_space<vmem>>, vector<16xf32>,
    %broadcast_in_dim3A_37 = arith.constant 1.000000e+00 : f32
    %broadcast_in_dim3A_38 = vector.broadcast %broadcast_in_dim3A_37 : f32 to vector<16xf32>
    %swap3A_39 = arith.constant 96 : index
    %swap3A_40 = tpu.vector_load %arg5[%swap3A_39] {strides = array<i32>} : memref<128xf32, #tpu.memory_space<vmem>>, vector<16xf32>,
    %swap3A_41 = vector.shape_cast %swap3A_40 : vector<16xf32> to vector<16xf32>
    %swap3A_42 = vector.shape_cast %broadcast_in_dim3A_38 : vector<16xf32> to vector<16xf32>
    tpu.vector_store %arg5[%swap3A_39], %swap3A_42 {strides = array<i32>} : memref<128xf32, #tpu.memory_space<vmem>>, vector<16xf32>,
    %broadcast_in_dim3A_43 = arith.constant 1.000000e+00 : f32
    %broadcast_in_dim3A_44 = vector.broadcast %broadcast_in_dim3A_43 : f32 to vector<16xf32>
    %swap3A_45 = arith.constant 112 : index
    %swap3A_46 = tpu.vector_load %arg5[%swap3A_45] {strides = array<i32>} : memref<128xf32, #tpu.memory_space<vmem>>, vector<16xf32>,
    %swap3A_47 = vector.shape_cast %swap3A_46 : vector<16xf32> to vector<16xf32>
    %swap3A_48 = vector.shape_cast %broadcast_in_dim3A_44 : vector<16xf32> to vector<16xf32>
    tpu.vector_store %arg5[%swap3A_45], %swap3A_48 {strides = array<i32>} : memref<128xf32, #tpu.memory_space<vmem>>, vector<16xf32>,
    "tpu.region"() ({
      %run_scoped3A = tpu.sem_alloc : memref<!tpu.dma_semaphore, #tpu.memory_space<semaphore_mem>>
      %dma_start3A_65 = arith.constant 0 : i32
      %dma_start3A_66 = arith.constant 0 : i32
      %dma_start3A_67 = tpu.memref_slice %arg2[%add3A, %dma_start3A_65, %dma_start3A_66] : memref<32x80x128xi32, #tpu.memory_space<hbm>> -> memref<1x80x128xi32, #tpu.memory_space<hbm>>
      %dma_start3A_68 = tpu.memref_squeeze %dma_start3A_67 : memref<1x80x128xi32, #tpu.memory_space<hbm>> -> memref<80x128xi32, #tpu.memory_space<hbm>>
      %dma_start3A_69 = arith.constant 0 : i32
      %dma_start3A_70 = arith.constant 0 : i32
      %dma_start3A_71 = tpu.memref_slice %arg2[%add3A, %dma_start3A_69, %dma_start3A_70] : memref<32x80x128xi32, #tpu.memory_space<hbm>> -> memref<1x80x128xi32, #tpu.memory_space<hbm>>
      %dma_start3A_72 = tpu.memref_squeeze %dma_start3A_71 : memref<1x80x128xi32, #tpu.memory_space<hbm>> -> memref<80x128xi32, #tpu.memory_space<hbm>>
      tpu.enqueue_dma source(%dma_start3A_72 : memref<80x128xi32, #tpu.memory_space<hbm>>) target(%arg6 : memref<80x128xi32, #tpu.memory_space<vmem>>) target_semaphore(%run_scoped3A : memref<!tpu.dma_semaphore, #tpu.memory_space<semaphore_mem>>)
      %dma_wait3A = arith.constant 0 : i32
      %dma_wait3A_73 = arith.constant 0 : i32
      %dma_wait3A_74 = tpu.memref_slice %arg2[%add3A, %dma_wait3A, %dma_wait3A_73] : memref<32x80x128xi32, #tpu.memory_space<hbm>> -> memref<1x80x128xi32, #tpu.memory_space<hbm>>
      %dma_wait3A_75 = tpu.memref_squeeze %dma_wait3A_74 : memref<1x80x128xi32, #tpu.memory_space<hbm>> -> memref<80x128xi32, #tpu.memory_space<hbm>>
      %dma_wait3A_76 = arith.constant 0 : i32
      %dma_wait3A_77 = arith.constant 0 : i32
      %dma_wait3A_78 = tpu.memref_slice %arg2[%add3A, %dma_wait3A_76, %dma_wait3A_77] : memref<32x80x128xi32, #tpu.memory_space<hbm>> -> memref<1x80x128xi32, #tpu.memory_space<hbm>>
      %dma_wait3A_79 = tpu.memref_squeeze %dma_wait3A_78 : memref<1x80x128xi32, #tpu.memory_space<hbm>> -> memref<80x128xi32, #tpu.memory_space<hbm>>
      tpu.wait_dma2 semaphore(%run_scoped3A : memref<!tpu.dma_semaphore, #tpu.memory_space<semaphore_mem>>) src(%dma_wait3A_79 : memref<80x128xi32, #tpu.memory_space<hbm>>) dst(%arg6 : memref<80x128xi32, #tpu.memory_space<vmem>>)
      tpu.yield
    }) : () -> ()
    %barrier3A = arith.constant 0 : index
    tpu.barrier barrier_id(%barrier3A)
    %dma_start3A = arith.constant 0 : i32
    %dma_start3A_49 = arith.constant 0 : i32
    %dma_start3A_50 = tpu.memref_slice %arg6[%dma_start3A, %dma_start3A_49] : memref<80x128xi32, #tpu.memory_space<vmem>> -> memref<1x128xi32, #tpu.memory_space<vmem>>
    %dma_start3A_51 = tpu.memref_squeeze %dma_start3A_50 : memref<1x128xi32, #tpu.memory_space<vmem>> -> memref<128xi32, #tpu.memory_space<vmem>>
    %dma_start3A_52 = arith.constant 0 : i32
    %dma_start3A_53 = tpu.memref_slice %arg7[%dma_start3A_52] : memref<10112xf32, #tpu.memory_space<vmem_shared>> -> memref<10112xf32, #tpu.memory_space<vmem_shared>>
    tpu.enqueue_indirect_dma source(%arg5 : memref<128xf32, #tpu.memory_space<vmem>>) target(%dma_start3A_53 : memref<10112xf32, #tpu.memory_space<vmem_shared>>) offsets(%dma_start3A_51 : memref<128xi32, #tpu.memory_space<vmem>>) semaphore(%arg8 : memref<!tpu.dma_semaphore, #tpu.memory_space<semaphore_mem>>) {add = true}
    %scan3A = arith.constant 0 : i32
    %scan3A_54 = arith.constant 0 : i32
    %scan3A_55 = arith.constant 40 : i32
    %scan3A_56 = arith.addi %scan3A_54, %scan3A_55 : i32
    %scan3A_57 = arith.constant 1 : i32
    scf.for %scan3A_65 = %scan3A_54 to %scan3A_56 step %scan3A_57  : i32 {
      %mul3A_66 = arith.constant 2 : i32
      %mul3A_67 = arith.muli %mul3A_66, %scan3A_65 : i32
      %add3A_68 = arith.constant 0 : i32
      %add3A_69 = arith.addi %mul3A_67, %add3A_68 : i32
      %add3A_70 = arith.constant 1 : i32
      %add3A_71 = arith.addi %add3A_69, %add3A_70 : i32
      %lt3A = arith.constant 80 : i32
      %lt3A_72 = arith.cmpi slt, %add3A_71, %lt3A : i32
      %convert_element_type3A_73 = arith.extui %lt3A_72 : i1 to i32
      %cond3A_74 = arith.constant 0 : i32
      %cond3A_75 = arith.cmpi ne, %convert_element_type3A_73, %cond3A_74 : i32
      scf.if %cond3A_75 {
        %add3A_96 = arith.constant 1 : i32
        %add3A_97 = arith.addi %add3A_69, %add3A_96 : i32
        %dma_start3A_98 = arith.constant 0 : i32
        %dma_start3A_99 = tpu.memref_slice %arg6[%add3A_97, %dma_start3A_98] : memref<80x128xi32, #tpu.memory_space<vmem>> -> memref<1x128xi32, #tpu.memory_space<vmem>>
        %dma_start3A_100 = tpu.memref_squeeze %dma_start3A_99 : memref<1x128xi32, #tpu.memory_space<vmem>> -> memref<128xi32, #tpu.memory_space<vmem>>
        %dma_start3A_101 = arith.constant 0 : i32
        %dma_start3A_102 = tpu.memref_slice %arg7[%dma_start3A_101] : memref<10112xf32, #tpu.memory_space<vmem_shared>> -> memref<10112xf32, #tpu.memory_space<vmem_shared>>
        tpu.enqueue_indirect_dma source(%arg5 : memref<128xf32, #tpu.memory_space<vmem>>) target(%dma_start3A_102 : memref<10112xf32, #tpu.memory_space<vmem_shared>>) offsets(%dma_start3A_100 : memref<128xi32, #tpu.memory_space<vmem>>) semaphore(%arg9 : memref<!tpu.dma_semaphore, #tpu.memory_space<semaphore_mem>>) {add = true}
      } else {
      }
      %dma_wait3A = arith.constant 0 : i32
      %dma_wait3A_76 = tpu.memref_slice %arg6[%add3A_69, %dma_wait3A] : memref<80x128xi32, #tpu.memory_space<vmem>> -> memref<1x128xi32, #tpu.memory_space<vmem>>
      %dma_wait3A_77 = tpu.memref_squeeze %dma_wait3A_76 : memref<1x128xi32, #tpu.memory_space<vmem>> -> memref<128xi32, #tpu.memory_space<vmem>>
      %dma_wait3A_78 = arith.constant 0 : i32
      %dma_wait3A_79 = tpu.memref_slice %arg7[%dma_wait3A_78] : memref<10112xf32, #tpu.memory_space<vmem_shared>> -> memref<10112xf32, #tpu.memory_space<vmem_shared>>
      tpu.wait_indirect_dma semaphore(%arg8 : memref<!tpu.dma_semaphore, #tpu.memory_space<semaphore_mem>>) src(%arg5 : memref<128xf32, #tpu.memory_space<vmem>>) dst(%dma_wait3A_79 : memref<10112xf32, #tpu.memory_space<vmem_shared>>)
      %mul3A_80 = arith.constant 2 : i32
      %mul3A_81 = arith.muli %mul3A_80, %scan3A_65 : i32
      %add3A_82 = arith.constant 1 : i32
      %add3A_83 = arith.addi %mul3A_81, %add3A_82 : i32
      %add3A_84 = arith.constant 1 : i32
      %add3A_85 = arith.addi %add3A_83, %add3A_84 : i32
      %lt3A_86 = arith.constant 80 : i32
      %lt3A_87 = arith.cmpi slt, %add3A_85, %lt3A_86 : i32
      %convert_element_type3A_88 = arith.extui %lt3A_87 : i1 to i32
      %cond3A_89 = arith.constant 0 : i32
      %cond3A_90 = arith.cmpi ne, %convert_element_type3A_88, %cond3A_89 : i32
      scf.if %cond3A_90 {
        %add3A_96 = arith.constant 1 : i32
        %add3A_97 = arith.addi %add3A_83, %add3A_96 : i32
        %dma_start3A_98 = arith.constant 0 : i32
        %dma_start3A_99 = tpu.memref_slice %arg6[%add3A_97, %dma_start3A_98] : memref<80x128xi32, #tpu.memory_space<vmem>> -> memref<1x128xi32, #tpu.memory_space<vmem>>
        %dma_start3A_100 = tpu.memref_squeeze %dma_start3A_99 : memref<1x128xi32, #tpu.memory_space<vmem>> -> memref<128xi32, #tpu.memory_space<vmem>>
        %dma_start3A_101 = arith.constant 0 : i32
        %dma_start3A_102 = tpu.memref_slice %arg7[%dma_start3A_101] : memref<10112xf32, #tpu.memory_space<vmem_shared>> -> memref<10112xf32, #tpu.memory_space<vmem_shared>>
        tpu.enqueue_indirect_dma source(%arg5 : memref<128xf32, #tpu.memory_space<vmem>>) target(%dma_start3A_102 : memref<10112xf32, #tpu.memory_space<vmem_shared>>) offsets(%dma_start3A_100 : memref<128xi32, #tpu.memory_space<vmem>>) semaphore(%arg8 : memref<!tpu.dma_semaphore, #tpu.memory_space<semaphore_mem>>) {add = true}
      } else {
      }
      %dma_wait3A_91 = arith.constant 0 : i32
      %dma_wait3A_92 = tpu.memref_slice %arg6[%add3A_83, %dma_wait3A_91] : memref<80x128xi32, #tpu.memory_space<vmem>> -> memref<1x128xi32, #tpu.memory_space<vmem>>
      %dma_wait3A_93 = tpu.memref_squeeze %dma_wait3A_92 : memref<1x128xi32, #tpu.memory_space<vmem>> -> memref<128xi32, #tpu.memory_space<vmem>>
      %dma_wait3A_94 = arith.constant 0 : i32
      %dma_wait3A_95 = tpu.memref_slice %arg7[%dma_wait3A_94] : memref<10112xf32, #tpu.memory_space<vmem_shared>> -> memref<10112xf32, #tpu.memory_space<vmem_shared>>
      tpu.wait_indirect_dma semaphore(%arg9 : memref<!tpu.dma_semaphore, #tpu.memory_space<semaphore_mem>>) src(%arg5 : memref<128xf32, #tpu.memory_space<vmem>>) dst(%dma_wait3A_95 : memref<10112xf32, #tpu.memory_space<vmem_shared>>)
    }
    %scan3A_58 = arith.constant 40 : i32
    %barrier3A_59 = arith.constant 0 : index
    tpu.barrier barrier_id(%barrier3A_59)
    %eq3A_60 = arith.constant 0 : i32
    %eq3A_61 = arith.cmpi eq, %arg1, %eq3A_60 : i32
    %convert_element_type3A_62 = arith.extui %eq3A_61 : i1 to i32
    %cond3A_63 = arith.constant 0 : i32
    %cond3A_64 = arith.cmpi ne, %convert_element_type3A_62, %cond3A_63 : i32
    scf.if %cond3A_64 {
      %mul3A_65 = arith.constant 10112 : i32
      %mul3A_66 = arith.muli %arg0, %mul3A_65 : i32
      "tpu.region"() ({
        %run_scoped3A = tpu.sem_alloc : memref<!tpu.dma_semaphore, #tpu.memory_space<semaphore_mem>>
        %dma_start3A_67 = tpu.memref_slice %arg4[%mul3A_66] : memref<20224xf32, #tpu.memory_space<hbm>> -> memref<10112xf32, #tpu.memory_space<hbm>>
        tpu.enqueue_dma source(%arg7 : memref<10112xf32, #tpu.memory_space<vmem_shared>>) target(%dma_start3A_67 : memref<10112xf32, #tpu.memory_space<hbm>>) target_semaphore(%run_scoped3A : memref<!tpu.dma_semaphore, #tpu.memory_space<semaphore_mem>>)
        %dma_wait3A = tpu.memref_slice %arg4[%mul3A_66] : memref<20224xf32, #tpu.memory_space<hbm>> -> memref<10112xf32, #tpu.memory_space<hbm>>
        tpu.wait_dma2 semaphore(%run_scoped3A : memref<!tpu.dma_semaphore, #tpu.memory_space<semaphore_mem>>) src(%arg7 : memref<10112xf32, #tpu.memory_space<vmem_shared>>) dst(%dma_wait3A : memref<10112xf32, #tpu.memory_space<hbm>>)
        tpu.yield
      }) : () -> ()
    } else {
    }
    return
  }
}

#map = affine_map<(d0, d1) -> (0, 0)>
#map1 = affine_map<(d0, d1) -> (0, 0, 0)>
module attributes {stable_mosaic.version = 14 : i64} {
  func.func @body(%arg0: i32, %arg1: i32, %arg2: memref<10000x64xf32, #tpu.memory_space<hbm>>, %arg3: memref<10000x64xf32, #tpu.memory_space<hbm>>, %arg4: memref<32x80x128xi32, #tpu.memory_space<hbm>>, %arg5: memref<32x80x128xi32, #tpu.memory_space<hbm>>, %arg6: memref<2x10000x64xf32, #tpu.memory_space<hbm>>, %arg7: memref<80x128xi32, #tpu.memory_space<vmem>>, %arg8: memref<80x128xi32, #tpu.memory_space<vmem>>, %arg9: memref<128x64xf32, #tpu.memory_space<vmem>>, %arg10: memref<128x64xf32, #tpu.memory_space<vmem>>, %arg11: memref<10016x64xf32, #tpu.memory_space<vmem_shared>>, %arg12: memref<!tpu.dma_semaphore, #tpu.memory_space<semaphore_mem>>, %arg13: memref<!tpu.dma_semaphore, #tpu.memory_space<semaphore_mem>>, %arg14: memref<!tpu.dma_semaphore, #tpu.memory_space<semaphore_mem>>, %arg15: memref<!tpu.dma_semaphore, #tpu.memory_space<semaphore_mem>>) attributes {dimension_semantics = [#tpu.dimension_semantics<core_parallel>, #tpu.dimension_semantics<subcore_parallel>], iteration_bounds = array<i64: 2, 16>, scalar_prefetch = 0 : i64, scratch_operands = 9 : i64, tpu.core_type = #tpu.core_type<sc_vector_subcore>, window_params = [{transform_indices = #map}, {transform_indices = #map}, {transform_indices = #map1}, {transform_indices = #map1}, {transform_indices = #map1}]} {
    %mul3A = arith.constant 16 : i32
    %mul3A_0 = arith.muli %arg0, %mul3A : i32
    %add3A = arith.addi %mul3A_0, %arg1 : i32
    %eq3A = arith.constant 0 : i32
    %eq3A_1 = arith.cmpi eq, %arg1, %eq3A : i32
    %eq3A_2 = arith.constant 0 : i32
    %eq3A_3 = arith.cmpi eq, %arg0, %eq3A_2 : i32
    %and3A = arith.andi %eq3A_1, %eq3A_3 : i1
    %convert_element_type3A = arith.extui %and3A : i1 to i32
    %cond3A = arith.constant 0 : i32
    %cond3A_4 = arith.cmpi ne, %convert_element_type3A, %cond3A : i32
    scf.if %cond3A_4 {
      "tpu.region"() ({
        %run_scoped3A = tpu.sem_alloc : memref<!tpu.dma_semaphore, #tpu.memory_space<semaphore_mem>>
        %dma_start3A_35 = arith.constant 0 : i32
        %dma_start3A_36 = arith.constant 0 : i32
        %dma_start3A_37 = tpu.memref_slice %arg11[%dma_start3A_35, %dma_start3A_36] : memref<10016x64xf32, #tpu.memory_space<vmem_shared>> -> memref<10000x64xf32, #tpu.memory_space<vmem_shared>>
        tpu.enqueue_dma source(%arg2 : memref<10000x64xf32, #tpu.memory_space<hbm>>) target(%dma_start3A_37 : memref<10000x64xf32, #tpu.memory_space<vmem_shared>>) target_semaphore(%run_scoped3A : memref<!tpu.dma_semaphore, #tpu.memory_space<semaphore_mem>>)
        %dma_wait3A_38 = arith.constant 0 : i32
        %dma_wait3A_39 = arith.constant 0 : i32
        %dma_wait3A_40 = tpu.memref_slice %arg11[%dma_wait3A_38, %dma_wait3A_39] : memref<10016x64xf32, #tpu.memory_space<vmem_shared>> -> memref<10000x64xf32, #tpu.memory_space<vmem_shared>>
        tpu.wait_dma2 semaphore(%run_scoped3A : memref<!tpu.dma_semaphore, #tpu.memory_space<semaphore_mem>>) src(%arg2 : memref<10000x64xf32, #tpu.memory_space<hbm>>) dst(%dma_wait3A_40 : memref<10000x64xf32, #tpu.memory_space<vmem_shared>>)
        tpu.yield
      }) : () -> ()
    } else {
    }
    %eq3A_5 = arith.constant 0 : i32
    %eq3A_6 = arith.cmpi eq, %arg1, %eq3A_5 : i32
    %ne3A = arith.constant 0 : i32
    %ne3A_7 = arith.cmpi ne, %arg0, %ne3A : i32
    %and3A_8 = arith.andi %eq3A_6, %ne3A_7 : i1
    %convert_element_type3A_9 = arith.extui %and3A_8 : i1 to i32
    %cond3A_10 = arith.constant 0 : i32
    %cond3A_11 = arith.cmpi ne, %convert_element_type3A_9, %cond3A_10 : i32
    scf.if %cond3A_11 {
      "tpu.region"() ({
        %run_scoped3A = tpu.sem_alloc : memref<!tpu.dma_semaphore, #tpu.memory_space<semaphore_mem>>
        %dma_start3A_35 = arith.constant 0 : i32
        %dma_start3A_36 = arith.constant 0 : i32
        %dma_start3A_37 = tpu.memref_slice %arg11[%dma_start3A_35, %dma_start3A_36] : memref<10016x64xf32, #tpu.memory_space<vmem_shared>> -> memref<10000x64xf32, #tpu.memory_space<vmem_shared>>
        tpu.enqueue_dma source(%arg3 : memref<10000x64xf32, #tpu.memory_space<hbm>>) target(%dma_start3A_37 : memref<10000x64xf32, #tpu.memory_space<vmem_shared>>) target_semaphore(%run_scoped3A : memref<!tpu.dma_semaphore, #tpu.memory_space<semaphore_mem>>)
        %dma_wait3A_38 = arith.constant 0 : i32
        %dma_wait3A_39 = arith.constant 0 : i32
        %dma_wait3A_40 = tpu.memref_slice %arg11[%dma_wait3A_38, %dma_wait3A_39] : memref<10016x64xf32, #tpu.memory_space<vmem_shared>> -> memref<10000x64xf32, #tpu.memory_space<vmem_shared>>
        tpu.wait_dma2 semaphore(%run_scoped3A : memref<!tpu.dma_semaphore, #tpu.memory_space<semaphore_mem>>) src(%arg3 : memref<10000x64xf32, #tpu.memory_space<hbm>>) dst(%dma_wait3A_40 : memref<10000x64xf32, #tpu.memory_space<vmem_shared>>)
        tpu.yield
      }) : () -> ()
    } else {
    }
    "tpu.region"() ({
      %run_scoped3A = tpu.sem_alloc : memref<!tpu.dma_semaphore, #tpu.memory_space<semaphore_mem>>
      %dma_start3A_35 = arith.constant 0 : i32
      %dma_start3A_36 = arith.constant 0 : i32
      %dma_start3A_37 = tpu.memref_slice %arg4[%add3A, %dma_start3A_35, %dma_start3A_36] : memref<32x80x128xi32, #tpu.memory_space<hbm>> -> memref<1x80x128xi32, #tpu.memory_space<hbm>>
      %dma_start3A_38 = tpu.memref_squeeze %dma_start3A_37 : memref<1x80x128xi32, #tpu.memory_space<hbm>> -> memref<80x128xi32, #tpu.memory_space<hbm>>
      %dma_start3A_39 = arith.constant 0 : i32
      %dma_start3A_40 = arith.constant 0 : i32
      %dma_start3A_41 = tpu.memref_slice %arg4[%add3A, %dma_start3A_39, %dma_start3A_40] : memref<32x80x128xi32, #tpu.memory_space<hbm>> -> memref<1x80x128xi32, #tpu.memory_space<hbm>>
      %dma_start3A_42 = tpu.memref_squeeze %dma_start3A_41 : memref<1x80x128xi32, #tpu.memory_space<hbm>> -> memref<80x128xi32, #tpu.memory_space<hbm>>
      tpu.enqueue_dma source(%dma_start3A_42 : memref<80x128xi32, #tpu.memory_space<hbm>>) target(%arg7 : memref<80x128xi32, #tpu.memory_space<vmem>>) target_semaphore(%run_scoped3A : memref<!tpu.dma_semaphore, #tpu.memory_space<semaphore_mem>>)
      %dma_wait3A_43 = arith.constant 0 : i32
      %dma_wait3A_44 = arith.constant 0 : i32
      %dma_wait3A_45 = tpu.memref_slice %arg4[%add3A, %dma_wait3A_43, %dma_wait3A_44] : memref<32x80x128xi32, #tpu.memory_space<hbm>> -> memref<1x80x128xi32, #tpu.memory_space<hbm>>
      %dma_wait3A_46 = tpu.memref_squeeze %dma_wait3A_45 : memref<1x80x128xi32, #tpu.memory_space<hbm>> -> memref<80x128xi32, #tpu.memory_space<hbm>>
      %dma_wait3A_47 = arith.constant 0 : i32
      %dma_wait3A_48 = arith.constant 0 : i32
      %dma_wait3A_49 = tpu.memref_slice %arg4[%add3A, %dma_wait3A_47, %dma_wait3A_48] : memref<32x80x128xi32, #tpu.memory_space<hbm>> -> memref<1x80x128xi32, #tpu.memory_space<hbm>>
      %dma_wait3A_50 = tpu.memref_squeeze %dma_wait3A_49 : memref<1x80x128xi32, #tpu.memory_space<hbm>> -> memref<80x128xi32, #tpu.memory_space<hbm>>
      tpu.wait_dma2 semaphore(%run_scoped3A : memref<!tpu.dma_semaphore, #tpu.memory_space<semaphore_mem>>) src(%dma_wait3A_50 : memref<80x128xi32, #tpu.memory_space<hbm>>) dst(%arg7 : memref<80x128xi32, #tpu.memory_space<vmem>>)
      tpu.yield
    }) : () -> ()
    "tpu.region"() ({
      %run_scoped3A = tpu.sem_alloc : memref<!tpu.dma_semaphore, #tpu.memory_space<semaphore_mem>>
      %dma_start3A_35 = arith.constant 0 : i32
      %dma_start3A_36 = arith.constant 0 : i32
      %dma_start3A_37 = tpu.memref_slice %arg5[%add3A, %dma_start3A_35, %dma_start3A_36] : memref<32x80x128xi32, #tpu.memory_space<hbm>> -> memref<1x80x128xi32, #tpu.memory_space<hbm>>
      %dma_start3A_38 = tpu.memref_squeeze %dma_start3A_37 : memref<1x80x128xi32, #tpu.memory_space<hbm>> -> memref<80x128xi32, #tpu.memory_space<hbm>>
      %dma_start3A_39 = arith.constant 0 : i32
      %dma_start3A_40 = arith.constant 0 : i32
      %dma_start3A_41 = tpu.memref_slice %arg5[%add3A, %dma_start3A_39, %dma_start3A_40] : memref<32x80x128xi32, #tpu.memory_space<hbm>> -> memref<1x80x128xi32, #tpu.memory_space<hbm>>
      %dma_start3A_42 = tpu.memref_squeeze %dma_start3A_41 : memref<1x80x128xi32, #tpu.memory_space<hbm>> -> memref<80x128xi32, #tpu.memory_space<hbm>>
      tpu.enqueue_dma source(%dma_start3A_42 : memref<80x128xi32, #tpu.memory_space<hbm>>) target(%arg8 : memref<80x128xi32, #tpu.memory_space<vmem>>) target_semaphore(%run_scoped3A : memref<!tpu.dma_semaphore, #tpu.memory_space<semaphore_mem>>)
      %dma_wait3A_43 = arith.constant 0 : i32
      %dma_wait3A_44 = arith.constant 0 : i32
      %dma_wait3A_45 = tpu.memref_slice %arg5[%add3A, %dma_wait3A_43, %dma_wait3A_44] : memref<32x80x128xi32, #tpu.memory_space<hbm>> -> memref<1x80x128xi32, #tpu.memory_space<hbm>>
      %dma_wait3A_46 = tpu.memref_squeeze %dma_wait3A_45 : memref<1x80x128xi32, #tpu.memory_space<hbm>> -> memref<80x128xi32, #tpu.memory_space<hbm>>
      %dma_wait3A_47 = arith.constant 0 : i32
      %dma_wait3A_48 = arith.constant 0 : i32
      %dma_wait3A_49 = tpu.memref_slice %arg5[%add3A, %dma_wait3A_47, %dma_wait3A_48] : memref<32x80x128xi32, #tpu.memory_space<hbm>> -> memref<1x80x128xi32, #tpu.memory_space<hbm>>
      %dma_wait3A_50 = tpu.memref_squeeze %dma_wait3A_49 : memref<1x80x128xi32, #tpu.memory_space<hbm>> -> memref<80x128xi32, #tpu.memory_space<hbm>>
      tpu.wait_dma2 semaphore(%run_scoped3A : memref<!tpu.dma_semaphore, #tpu.memory_space<semaphore_mem>>) src(%dma_wait3A_50 : memref<80x128xi32, #tpu.memory_space<hbm>>) dst(%arg8 : memref<80x128xi32, #tpu.memory_space<vmem>>)
      tpu.yield
    }) : () -> ()
    %barrier3A = arith.constant 0 : index
    tpu.barrier barrier_id(%barrier3A)
    %dma_start3A = arith.constant 0 : i32
    %dma_start3A_12 = arith.constant 0 : i32
    %dma_start3A_13 = tpu.memref_slice %arg7[%dma_start3A, %dma_start3A_12] : memref<80x128xi32, #tpu.memory_space<vmem>> -> memref<1x128xi32, #tpu.memory_space<vmem>>
    %dma_start3A_14 = tpu.memref_squeeze %dma_start3A_13 : memref<1x128xi32, #tpu.memory_space<vmem>> -> memref<128xi32, #tpu.memory_space<vmem>>
    %dma_start3A_15 = arith.constant 0 : i32
    %dma_start3A_16 = arith.constant 0 : i32
    %dma_start3A_17 = tpu.memref_slice %arg2[%dma_start3A_15, %dma_start3A_16] : memref<10000x64xf32, #tpu.memory_space<hbm>> -> memref<10000x64xf32, #tpu.memory_space<hbm>>
    tpu.enqueue_indirect_dma source(%dma_start3A_17 : memref<10000x64xf32, #tpu.memory_space<hbm>>) target(%arg9 : memref<128x64xf32, #tpu.memory_space<vmem>>) offsets(%dma_start3A_14 : memref<128xi32, #tpu.memory_space<vmem>>) semaphore(%arg12 : memref<!tpu.dma_semaphore, #tpu.memory_space<semaphore_mem>>)
    %scan3A = arith.constant 0 : i32
    %scan3A_18 = arith.constant 0 : i32
    %scan3A_19 = arith.constant 40 : i32
    %scan3A_20 = arith.addi %scan3A_18, %scan3A_19 : i32
    %scan3A_21 = arith.constant 1 : i32
    scf.for %scan3A_35 = %scan3A_18 to %scan3A_20 step %scan3A_21  : i32 {
      %mul3A_36 = arith.constant 2 : i32
      %mul3A_37 = arith.muli %mul3A_36, %scan3A_35 : i32
      %add3A_38 = arith.constant 0 : i32
      %add3A_39 = arith.addi %mul3A_37, %add3A_38 : i32
      %dma_wait3A_40 = arith.constant 0 : i32
      %dma_wait3A_41 = tpu.memref_slice %arg7[%add3A_39, %dma_wait3A_40] : memref<80x128xi32, #tpu.memory_space<vmem>> -> memref<1x128xi32, #tpu.memory_space<vmem>>
      %dma_wait3A_42 = tpu.memref_squeeze %dma_wait3A_41 : memref<1x128xi32, #tpu.memory_space<vmem>> -> memref<128xi32, #tpu.memory_space<vmem>>
      %dma_wait3A_43 = arith.constant 0 : i32
      %dma_wait3A_44 = arith.constant 0 : i32
      %dma_wait3A_45 = tpu.memref_slice %arg2[%dma_wait3A_43, %dma_wait3A_44] : memref<10000x64xf32, #tpu.memory_space<hbm>> -> memref<10000x64xf32, #tpu.memory_space<hbm>>
      tpu.wait_indirect_dma semaphore(%arg12 : memref<!tpu.dma_semaphore, #tpu.memory_space<semaphore_mem>>) src(%dma_wait3A_45 : memref<10000x64xf32, #tpu.memory_space<hbm>>) dst(%arg9 : memref<128x64xf32, #tpu.memory_space<vmem>>)
      %dma_start3A_46 = arith.constant 0 : i32
      %dma_start3A_47 = tpu.memref_slice %arg8[%add3A_39, %dma_start3A_46] : memref<80x128xi32, #tpu.memory_space<vmem>> -> memref<1x128xi32, #tpu.memory_space<vmem>>
      %dma_start3A_48 = tpu.memref_squeeze %dma_start3A_47 : memref<1x128xi32, #tpu.memory_space<vmem>> -> memref<128xi32, #tpu.memory_space<vmem>>
      %dma_start3A_49 = arith.constant 0 : i32
      %dma_start3A_50 = arith.constant 0 : i32
      %dma_start3A_51 = tpu.memref_slice %arg11[%dma_start3A_49, %dma_start3A_50] : memref<10016x64xf32, #tpu.memory_space<vmem_shared>> -> memref<10016x64xf32, #tpu.memory_space<vmem_shared>>
      tpu.enqueue_indirect_dma source(%arg9 : memref<128x64xf32, #tpu.memory_space<vmem>>) target(%dma_start3A_51 : memref<10016x64xf32, #tpu.memory_space<vmem_shared>>) offsets(%dma_start3A_48 : memref<128xi32, #tpu.memory_space<vmem>>) semaphore(%arg14 : memref<!tpu.dma_semaphore, #tpu.memory_space<semaphore_mem>>) {add = true}
      %ge3A = arith.constant 1 : i32
      %ge3A_52 = arith.cmpi sge, %add3A_39, %ge3A : i32
      %convert_element_type3A_53 = arith.extui %ge3A_52 : i1 to i32
      %cond3A_54 = arith.constant 0 : i32
      %cond3A_55 = arith.cmpi ne, %convert_element_type3A_53, %cond3A_54 : i32
      scf.if %cond3A_55 {
        %dma_wait3A_90 = arith.constant 0 : i32
        %dma_wait3A_91 = tpu.memref_slice %arg8[%add3A_39, %dma_wait3A_90] : memref<80x128xi32, #tpu.memory_space<vmem>> -> memref<1x128xi32, #tpu.memory_space<vmem>>
        %dma_wait3A_92 = tpu.memref_squeeze %dma_wait3A_91 : memref<1x128xi32, #tpu.memory_space<vmem>> -> memref<128xi32, #tpu.memory_space<vmem>>
        %dma_wait3A_93 = arith.constant 0 : i32
        %dma_wait3A_94 = arith.constant 0 : i32
        %dma_wait3A_95 = tpu.memref_slice %arg11[%dma_wait3A_93, %dma_wait3A_94] : memref<10016x64xf32, #tpu.memory_space<vmem_shared>> -> memref<10016x64xf32, #tpu.memory_space<vmem_shared>>
        tpu.wait_indirect_dma semaphore(%arg15 : memref<!tpu.dma_semaphore, #tpu.memory_space<semaphore_mem>>) src(%arg10 : memref<128x64xf32, #tpu.memory_space<vmem>>) dst(%dma_wait3A_95 : memref<10016x64xf32, #tpu.memory_space<vmem_shared>>)
      } else {
      }
      %add3A_56 = arith.constant 1 : i32
      %add3A_57 = arith.addi %add3A_39, %add3A_56 : i32
      %lt3A = arith.constant 80 : i32
      %lt3A_58 = arith.cmpi slt, %add3A_57, %lt3A : i32
      %convert_element_type3A_59 = arith.extui %lt3A_58 : i1 to i32
      %cond3A_60 = arith.constant 0 : i32
      %cond3A_61 = arith.cmpi ne, %convert_element_type3A_59, %cond3A_60 : i32
      scf.if %cond3A_61 {
        %add3A_90 = arith.constant 1 : i32
        %add3A_91 = arith.addi %add3A_39, %add3A_90 : i32
        %dma_start3A_92 = arith.constant 0 : i32
        %dma_start3A_93 = tpu.memref_slice %arg7[%add3A_91, %dma_start3A_92] : memref<80x128xi32, #tpu.memory_space<vmem>> -> memref<1x128xi32, #tpu.memory_space<vmem>>
        %dma_start3A_94 = tpu.memref_squeeze %dma_start3A_93 : memref<1x128xi32, #tpu.memory_space<vmem>> -> memref<128xi32, #tpu.memory_space<vmem>>
        %dma_start3A_95 = arith.constant 0 : i32
        %dma_start3A_96 = arith.constant 0 : i32
        %dma_start3A_97 = tpu.memref_slice %arg2[%dma_start3A_95, %dma_start3A_96] : memref<10000x64xf32, #tpu.memory_space<hbm>> -> memref<10000x64xf32, #tpu.memory_space<hbm>>
        tpu.enqueue_indirect_dma source(%dma_start3A_97 : memref<10000x64xf32, #tpu.memory_space<hbm>>) target(%arg10 : memref<128x64xf32, #tpu.memory_space<vmem>>) offsets(%dma_start3A_94 : memref<128xi32, #tpu.memory_space<vmem>>) semaphore(%arg13 : memref<!tpu.dma_semaphore, #tpu.memory_space<semaphore_mem>>)
      } else {
      }
      %mul3A_62 = arith.constant 2 : i32
      %mul3A_63 = arith.muli %mul3A_62, %scan3A_35 : i32
      %add3A_64 = arith.constant 1 : i32
      %add3A_65 = arith.addi %mul3A_63, %add3A_64 : i32
      %dma_wait3A_66 = arith.constant 0 : i32
      %dma_wait3A_67 = tpu.memref_slice %arg7[%add3A_65, %dma_wait3A_66] : memref<80x128xi32, #tpu.memory_space<vmem>> -> memref<1x128xi32, #tpu.memory_space<vmem>>
      %dma_wait3A_68 = tpu.memref_squeeze %dma_wait3A_67 : memref<1x128xi32, #tpu.memory_space<vmem>> -> memref<128xi32, #tpu.memory_space<vmem>>
      %dma_wait3A_69 = arith.constant 0 : i32
      %dma_wait3A_70 = arith.constant 0 : i32
      %dma_wait3A_71 = tpu.memref_slice %arg2[%dma_wait3A_69, %dma_wait3A_70] : memref<10000x64xf32, #tpu.memory_space<hbm>> -> memref<10000x64xf32, #tpu.memory_space<hbm>>
      tpu.wait_indirect_dma semaphore(%arg13 : memref<!tpu.dma_semaphore, #tpu.memory_space<semaphore_mem>>) src(%dma_wait3A_71 : memref<10000x64xf32, #tpu.memory_space<hbm>>) dst(%arg10 : memref<128x64xf32, #tpu.memory_space<vmem>>)
      %dma_start3A_72 = arith.constant 0 : i32
      %dma_start3A_73 = tpu.memref_slice %arg8[%add3A_65, %dma_start3A_72] : memref<80x128xi32, #tpu.memory_space<vmem>> -> memref<1x128xi32, #tpu.memory_space<vmem>>
      %dma_start3A_74 = tpu.memref_squeeze %dma_start3A_73 : memref<1x128xi32, #tpu.memory_space<vmem>> -> memref<128xi32, #tpu.memory_space<vmem>>
      %dma_start3A_75 = arith.constant 0 : i32
      %dma_start3A_76 = arith.constant 0 : i32
      %dma_start3A_77 = tpu.memref_slice %arg11[%dma_start3A_75, %dma_start3A_76] : memref<10016x64xf32, #tpu.memory_space<vmem_shared>> -> memref<10016x64xf32, #tpu.memory_space<vmem_shared>>
      tpu.enqueue_indirect_dma source(%arg10 : memref<128x64xf32, #tpu.memory_space<vmem>>) target(%dma_start3A_77 : memref<10016x64xf32, #tpu.memory_space<vmem_shared>>) offsets(%dma_start3A_74 : memref<128xi32, #tpu.memory_space<vmem>>) semaphore(%arg15 : memref<!tpu.dma_semaphore, #tpu.memory_space<semaphore_mem>>) {add = true}
      %ge3A_78 = arith.constant 1 : i32
      %ge3A_79 = arith.cmpi sge, %add3A_65, %ge3A_78 : i32
      %convert_element_type3A_80 = arith.extui %ge3A_79 : i1 to i32
      %cond3A_81 = arith.constant 0 : i32
      %cond3A_82 = arith.cmpi ne, %convert_element_type3A_80, %cond3A_81 : i32
      scf.if %cond3A_82 {
        %dma_wait3A_90 = arith.constant 0 : i32
        %dma_wait3A_91 = tpu.memref_slice %arg8[%add3A_65, %dma_wait3A_90] : memref<80x128xi32, #tpu.memory_space<vmem>> -> memref<1x128xi32, #tpu.memory_space<vmem>>
        %dma_wait3A_92 = tpu.memref_squeeze %dma_wait3A_91 : memref<1x128xi32, #tpu.memory_space<vmem>> -> memref<128xi32, #tpu.memory_space<vmem>>
        %dma_wait3A_93 = arith.constant 0 : i32
        %dma_wait3A_94 = arith.constant 0 : i32
        %dma_wait3A_95 = tpu.memref_slice %arg11[%dma_wait3A_93, %dma_wait3A_94] : memref<10016x64xf32, #tpu.memory_space<vmem_shared>> -> memref<10016x64xf32, #tpu.memory_space<vmem_shared>>
        tpu.wait_indirect_dma semaphore(%arg14 : memref<!tpu.dma_semaphore, #tpu.memory_space<semaphore_mem>>) src(%arg9 : memref<128x64xf32, #tpu.memory_space<vmem>>) dst(%dma_wait3A_95 : memref<10016x64xf32, #tpu.memory_space<vmem_shared>>)
      } else {
      }
      %add3A_83 = arith.constant 1 : i32
      %add3A_84 = arith.addi %add3A_65, %add3A_83 : i32
      %lt3A_85 = arith.constant 80 : i32
      %lt3A_86 = arith.cmpi slt, %add3A_84, %lt3A_85 : i32
      %convert_element_type3A_87 = arith.extui %lt3A_86 : i1 to i32
      %cond3A_88 = arith.constant 0 : i32
      %cond3A_89 = arith.cmpi ne, %convert_element_type3A_87, %cond3A_88 : i32
      scf.if %cond3A_89 {
        %add3A_90 = arith.constant 1 : i32
        %add3A_91 = arith.addi %add3A_65, %add3A_90 : i32
        %dma_start3A_92 = arith.constant 0 : i32
        %dma_start3A_93 = tpu.memref_slice %arg7[%add3A_91, %dma_start3A_92] : memref<80x128xi32, #tpu.memory_space<vmem>> -> memref<1x128xi32, #tpu.memory_space<vmem>>
        %dma_start3A_94 = tpu.memref_squeeze %dma_start3A_93 : memref<1x128xi32, #tpu.memory_space<vmem>> -> memref<128xi32, #tpu.memory_space<vmem>>
        %dma_start3A_95 = arith.constant 0 : i32
        %dma_start3A_96 = arith.constant 0 : i32
        %dma_start3A_97 = tpu.memref_slice %arg2[%dma_start3A_95, %dma_start3A_96] : memref<10000x64xf32, #tpu.memory_space<hbm>> -> memref<10000x64xf32, #tpu.memory_space<hbm>>
        tpu.enqueue_indirect_dma source(%dma_start3A_97 : memref<10000x64xf32, #tpu.memory_space<hbm>>) target(%arg9 : memref<128x64xf32, #tpu.memory_space<vmem>>) offsets(%dma_start3A_94 : memref<128xi32, #tpu.memory_space<vmem>>) semaphore(%arg12 : memref<!tpu.dma_semaphore, #tpu.memory_space<semaphore_mem>>)
      } else {
      }
    }
    %scan3A_22 = arith.constant 40 : i32
    %dma_wait3A = arith.constant 0 : i32
    %dma_wait3A_23 = arith.constant 0 : i32
    %dma_wait3A_24 = tpu.memref_slice %arg8[%dma_wait3A, %dma_wait3A_23] : memref<80x128xi32, #tpu.memory_space<vmem>> -> memref<1x128xi32, #tpu.memory_space<vmem>>
    %dma_wait3A_25 = tpu.memref_squeeze %dma_wait3A_24 : memref<1x128xi32, #tpu.memory_space<vmem>> -> memref<128xi32, #tpu.memory_space<vmem>>
    %dma_wait3A_26 = arith.constant 0 : i32
    %dma_wait3A_27 = arith.constant 0 : i32
    %dma_wait3A_28 = tpu.memref_slice %arg11[%dma_wait3A_26, %dma_wait3A_27] : memref<10016x64xf32, #tpu.memory_space<vmem_shared>> -> memref<10016x64xf32, #tpu.memory_space<vmem_shared>>
    tpu.wait_indirect_dma semaphore(%arg15 : memref<!tpu.dma_semaphore, #tpu.memory_space<semaphore_mem>>) src(%arg10 : memref<128x64xf32, #tpu.memory_space<vmem>>) dst(%dma_wait3A_28 : memref<10016x64xf32, #tpu.memory_space<vmem_shared>>)
    %barrier3A_29 = arith.constant 0 : index
    tpu.barrier barrier_id(%barrier3A_29)
    %eq3A_30 = arith.constant 0 : i32
    %eq3A_31 = arith.cmpi eq, %arg1, %eq3A_30 : i32
    %convert_element_type3A_32 = arith.extui %eq3A_31 : i1 to i32
    %cond3A_33 = arith.constant 0 : i32
    %cond3A_34 = arith.cmpi ne, %convert_element_type3A_32, %cond3A_33 : i32
    scf.if %cond3A_34 {
      "tpu.region"() ({
        %run_scoped3A = tpu.sem_alloc : memref<!tpu.dma_semaphore, #tpu.memory_space<semaphore_mem>>
        %dma_start3A_35 = arith.constant 0 : i32
        %dma_start3A_36 = arith.constant 0 : i32
        %dma_start3A_37 = tpu.memref_slice %arg6[%arg0, %dma_start3A_35, %dma_start3A_36] : memref<2x10000x64xf32, #tpu.memory_space<hbm>> -> memref<1x10000x64xf32, #tpu.memory_space<hbm>>
        %dma_start3A_38 = tpu.memref_squeeze %dma_start3A_37 : memref<1x10000x64xf32, #tpu.memory_space<hbm>> -> memref<10000x64xf32, #tpu.memory_space<hbm>>
        %dma_start3A_39 = arith.constant 0 : i32
        %dma_start3A_40 = arith.constant 0 : i32
        %dma_start3A_41 = tpu.memref_slice %arg11[%dma_start3A_39, %dma_start3A_40] : memref<10016x64xf32, #tpu.memory_space<vmem_shared>> -> memref<10000x64xf32, #tpu.memory_space<vmem_shared>>
        tpu.enqueue_dma source(%dma_start3A_41 : memref<10000x64xf32, #tpu.memory_space<vmem_shared>>) target(%dma_start3A_38 : memref<10000x64xf32, #tpu.memory_space<hbm>>) target_semaphore(%run_scoped3A : memref<!tpu.dma_semaphore, #tpu.memory_space<semaphore_mem>>)
        %dma_wait3A_42 = arith.constant 0 : i32
        %dma_wait3A_43 = arith.constant 0 : i32
        %dma_wait3A_44 = tpu.memref_slice %arg6[%arg0, %dma_wait3A_42, %dma_wait3A_43] : memref<2x10000x64xf32, #tpu.memory_space<hbm>> -> memref<1x10000x64xf32, #tpu.memory_space<hbm>>
        %dma_wait3A_45 = tpu.memref_squeeze %dma_wait3A_44 : memref<1x10000x64xf32, #tpu.memory_space<hbm>> -> memref<10000x64xf32, #tpu.memory_space<hbm>>
        %dma_wait3A_46 = arith.constant 0 : i32
        %dma_wait3A_47 = arith.constant 0 : i32
        %dma_wait3A_48 = tpu.memref_slice %arg11[%dma_wait3A_46, %dma_wait3A_47] : memref<10016x64xf32, #tpu.memory_space<vmem_shared>> -> memref<10000x64xf32, #tpu.memory_space<vmem_shared>>
        tpu.wait_dma2 semaphore(%run_scoped3A : memref<!tpu.dma_semaphore, #tpu.memory_space<semaphore_mem>>) src(%dma_wait3A_48 : memref<10000x64xf32, #tpu.memory_space<vmem_shared>>) dst(%dma_wait3A_45 : memref<10000x64xf32, #tpu.memory_space<hbm>>)
        tpu.yield
      }) : () -> ()
    } else {
    }
    return
  }
}

#map = affine_map<(d0, d1) -> (0, 0)>
#map1 = affine_map<(d0, d1) -> (0, 0, 0)>
module attributes {stable_mosaic.version = 14 : i64} {
  func.func @body(%arg0: i32, %arg1: i32, %arg2: memref<10000x64xf32, #tpu.memory_space<hbm>>, %arg3: memref<10000x64xf32, #tpu.memory_space<hbm>>, %arg4: memref<32x80x128xi32, #tpu.memory_space<hbm>>, %arg5: memref<32x80x128xi32, #tpu.memory_space<hbm>>, %arg6: memref<2x10000x64xf32, #tpu.memory_space<hbm>>, %arg7: memref<80x128xi32, #tpu.memory_space<vmem>>, %arg8: memref<80x128xi32, #tpu.memory_space<vmem>>, %arg9: memref<128x64xf32, #tpu.memory_space<vmem>>, %arg10: memref<128x64xf32, #tpu.memory_space<vmem>>, %arg11: memref<10016x64xf32, #tpu.memory_space<vmem_shared>>, %arg12: memref<!tpu.dma_semaphore, #tpu.memory_space<semaphore_mem>>, %arg13: memref<!tpu.dma_semaphore, #tpu.memory_space<semaphore_mem>>, %arg14: memref<!tpu.dma_semaphore, #tpu.memory_space<semaphore_mem>>, %arg15: memref<!tpu.dma_semaphore, #tpu.memory_space<semaphore_mem>>) attributes {dimension_semantics = [#tpu.dimension_semantics<core_parallel>, #tpu.dimension_semantics<subcore_parallel>], iteration_bounds = array<i64: 2, 16>, scalar_prefetch = 0 : i64, scratch_operands = 9 : i64, tpu.core_type = #tpu.core_type<sc_vector_subcore>, window_params = [{transform_indices = #map}, {transform_indices = #map}, {transform_indices = #map1}, {transform_indices = #map1}, {transform_indices = #map1}]} {
    %mul3A = arith.constant 16 : i32
    %mul3A_0 = arith.muli %arg0, %mul3A : i32
    %add3A = arith.addi %mul3A_0, %arg1 : i32
    %eq3A = arith.constant 0 : i32
    %eq3A_1 = arith.cmpi eq, %arg1, %eq3A : i32
    %eq3A_2 = arith.constant 0 : i32
    %eq3A_3 = arith.cmpi eq, %arg0, %eq3A_2 : i32
    %and3A = arith.andi %eq3A_1, %eq3A_3 : i1
    %convert_element_type3A = arith.extui %and3A : i1 to i32
    %cond3A = arith.constant 0 : i32
    %cond3A_4 = arith.cmpi ne, %convert_element_type3A, %cond3A : i32
    scf.if %cond3A_4 {
      "tpu.region"() ({
        %run_scoped3A = tpu.sem_alloc : memref<!tpu.dma_semaphore, #tpu.memory_space<semaphore_mem>>
        %dma_start3A_35 = arith.constant 0 : i32
        %dma_start3A_36 = arith.constant 0 : i32
        %dma_start3A_37 = tpu.memref_slice %arg11[%dma_start3A_35, %dma_start3A_36] : memref<10016x64xf32, #tpu.memory_space<vmem_shared>> -> memref<10000x64xf32, #tpu.memory_space<vmem_shared>>
        tpu.enqueue_dma source(%arg2 : memref<10000x64xf32, #tpu.memory_space<hbm>>) target(%dma_start3A_37 : memref<10000x64xf32, #tpu.memory_space<vmem_shared>>) target_semaphore(%run_scoped3A : memref<!tpu.dma_semaphore, #tpu.memory_space<semaphore_mem>>)
        %dma_wait3A_38 = arith.constant 0 : i32
        %dma_wait3A_39 = arith.constant 0 : i32
        %dma_wait3A_40 = tpu.memref_slice %arg11[%dma_wait3A_38, %dma_wait3A_39] : memref<10016x64xf32, #tpu.memory_space<vmem_shared>> -> memref<10000x64xf32, #tpu.memory_space<vmem_shared>>
        tpu.wait_dma2 semaphore(%run_scoped3A : memref<!tpu.dma_semaphore, #tpu.memory_space<semaphore_mem>>) src(%arg2 : memref<10000x64xf32, #tpu.memory_space<hbm>>) dst(%dma_wait3A_40 : memref<10000x64xf32, #tpu.memory_space<vmem_shared>>)
        tpu.yield
      }) : () -> ()
    } else {
    }
    %eq3A_5 = arith.constant 0 : i32
    %eq3A_6 = arith.cmpi eq, %arg1, %eq3A_5 : i32
    %ne3A = arith.constant 0 : i32
    %ne3A_7 = arith.cmpi ne, %arg0, %ne3A : i32
    %and3A_8 = arith.andi %eq3A_6, %ne3A_7 : i1
    %convert_element_type3A_9 = arith.extui %and3A_8 : i1 to i32
    %cond3A_10 = arith.constant 0 : i32
    %cond3A_11 = arith.cmpi ne, %convert_element_type3A_9, %cond3A_10 : i32
    scf.if %cond3A_11 {
      "tpu.region"() ({
        %run_scoped3A = tpu.sem_alloc : memref<!tpu.dma_semaphore, #tpu.memory_space<semaphore_mem>>
        %dma_start3A_35 = arith.constant 0 : i32
        %dma_start3A_36 = arith.constant 0 : i32
        %dma_start3A_37 = tpu.memref_slice %arg11[%dma_start3A_35, %dma_start3A_36] : memref<10016x64xf32, #tpu.memory_space<vmem_shared>> -> memref<10000x64xf32, #tpu.memory_space<vmem_shared>>
        tpu.enqueue_dma source(%arg3 : memref<10000x64xf32, #tpu.memory_space<hbm>>) target(%dma_start3A_37 : memref<10000x64xf32, #tpu.memory_space<vmem_shared>>) target_semaphore(%run_scoped3A : memref<!tpu.dma_semaphore, #tpu.memory_space<semaphore_mem>>)
        %dma_wait3A_38 = arith.constant 0 : i32
        %dma_wait3A_39 = arith.constant 0 : i32
        %dma_wait3A_40 = tpu.memref_slice %arg11[%dma_wait3A_38, %dma_wait3A_39] : memref<10016x64xf32, #tpu.memory_space<vmem_shared>> -> memref<10000x64xf32, #tpu.memory_space<vmem_shared>>
        tpu.wait_dma2 semaphore(%run_scoped3A : memref<!tpu.dma_semaphore, #tpu.memory_space<semaphore_mem>>) src(%arg3 : memref<10000x64xf32, #tpu.memory_space<hbm>>) dst(%dma_wait3A_40 : memref<10000x64xf32, #tpu.memory_space<vmem_shared>>)
        tpu.yield
      }) : () -> ()
    } else {
    }
    "tpu.region"() ({
      %run_scoped3A = tpu.sem_alloc : memref<!tpu.dma_semaphore, #tpu.memory_space<semaphore_mem>>
      %dma_start3A_35 = arith.constant 0 : i32
      %dma_start3A_36 = arith.constant 0 : i32
      %dma_start3A_37 = tpu.memref_slice %arg4[%add3A, %dma_start3A_35, %dma_start3A_36] : memref<32x80x128xi32, #tpu.memory_space<hbm>> -> memref<1x80x128xi32, #tpu.memory_space<hbm>>
      %dma_start3A_38 = tpu.memref_squeeze %dma_start3A_37 : memref<1x80x128xi32, #tpu.memory_space<hbm>> -> memref<80x128xi32, #tpu.memory_space<hbm>>
      %dma_start3A_39 = arith.constant 0 : i32
      %dma_start3A_40 = arith.constant 0 : i32
      %dma_start3A_41 = tpu.memref_slice %arg4[%add3A, %dma_start3A_39, %dma_start3A_40] : memref<32x80x128xi32, #tpu.memory_space<hbm>> -> memref<1x80x128xi32, #tpu.memory_space<hbm>>
      %dma_start3A_42 = tpu.memref_squeeze %dma_start3A_41 : memref<1x80x128xi32, #tpu.memory_space<hbm>> -> memref<80x128xi32, #tpu.memory_space<hbm>>
      tpu.enqueue_dma source(%dma_start3A_42 : memref<80x128xi32, #tpu.memory_space<hbm>>) target(%arg7 : memref<80x128xi32, #tpu.memory_space<vmem>>) target_semaphore(%run_scoped3A : memref<!tpu.dma_semaphore, #tpu.memory_space<semaphore_mem>>)
      %dma_wait3A_43 = arith.constant 0 : i32
      %dma_wait3A_44 = arith.constant 0 : i32
      %dma_wait3A_45 = tpu.memref_slice %arg4[%add3A, %dma_wait3A_43, %dma_wait3A_44] : memref<32x80x128xi32, #tpu.memory_space<hbm>> -> memref<1x80x128xi32, #tpu.memory_space<hbm>>
      %dma_wait3A_46 = tpu.memref_squeeze %dma_wait3A_45 : memref<1x80x128xi32, #tpu.memory_space<hbm>> -> memref<80x128xi32, #tpu.memory_space<hbm>>
      %dma_wait3A_47 = arith.constant 0 : i32
      %dma_wait3A_48 = arith.constant 0 : i32
      %dma_wait3A_49 = tpu.memref_slice %arg4[%add3A, %dma_wait3A_47, %dma_wait3A_48] : memref<32x80x128xi32, #tpu.memory_space<hbm>> -> memref<1x80x128xi32, #tpu.memory_space<hbm>>
      %dma_wait3A_50 = tpu.memref_squeeze %dma_wait3A_49 : memref<1x80x128xi32, #tpu.memory_space<hbm>> -> memref<80x128xi32, #tpu.memory_space<hbm>>
      tpu.wait_dma2 semaphore(%run_scoped3A : memref<!tpu.dma_semaphore, #tpu.memory_space<semaphore_mem>>) src(%dma_wait3A_50 : memref<80x128xi32, #tpu.memory_space<hbm>>) dst(%arg7 : memref<80x128xi32, #tpu.memory_space<vmem>>)
      tpu.yield
    }) : () -> ()
    "tpu.region"() ({
      %run_scoped3A = tpu.sem_alloc : memref<!tpu.dma_semaphore, #tpu.memory_space<semaphore_mem>>
      %dma_start3A_35 = arith.constant 0 : i32
      %dma_start3A_36 = arith.constant 0 : i32
      %dma_start3A_37 = tpu.memref_slice %arg5[%add3A, %dma_start3A_35, %dma_start3A_36] : memref<32x80x128xi32, #tpu.memory_space<hbm>> -> memref<1x80x128xi32, #tpu.memory_space<hbm>>
      %dma_start3A_38 = tpu.memref_squeeze %dma_start3A_37 : memref<1x80x128xi32, #tpu.memory_space<hbm>> -> memref<80x128xi32, #tpu.memory_space<hbm>>
      %dma_start3A_39 = arith.constant 0 : i32
      %dma_start3A_40 = arith.constant 0 : i32
      %dma_start3A_41 = tpu.memref_slice %arg5[%add3A, %dma_start3A_39, %dma_start3A_40] : memref<32x80x128xi32, #tpu.memory_space<hbm>> -> memref<1x80x128xi32, #tpu.memory_space<hbm>>
      %dma_start3A_42 = tpu.memref_squeeze %dma_start3A_41 : memref<1x80x128xi32, #tpu.memory_space<hbm>> -> memref<80x128xi32, #tpu.memory_space<hbm>>
      tpu.enqueue_dma source(%dma_start3A_42 : memref<80x128xi32, #tpu.memory_space<hbm>>) target(%arg8 : memref<80x128xi32, #tpu.memory_space<vmem>>) target_semaphore(%run_scoped3A : memref<!tpu.dma_semaphore, #tpu.memory_space<semaphore_mem>>)
      %dma_wait3A_43 = arith.constant 0 : i32
      %dma_wait3A_44 = arith.constant 0 : i32
      %dma_wait3A_45 = tpu.memref_slice %arg5[%add3A, %dma_wait3A_43, %dma_wait3A_44] : memref<32x80x128xi32, #tpu.memory_space<hbm>> -> memref<1x80x128xi32, #tpu.memory_space<hbm>>
      %dma_wait3A_46 = tpu.memref_squeeze %dma_wait3A_45 : memref<1x80x128xi32, #tpu.memory_space<hbm>> -> memref<80x128xi32, #tpu.memory_space<hbm>>
      %dma_wait3A_47 = arith.constant 0 : i32
      %dma_wait3A_48 = arith.constant 0 : i32
      %dma_wait3A_49 = tpu.memref_slice %arg5[%add3A, %dma_wait3A_47, %dma_wait3A_48] : memref<32x80x128xi32, #tpu.memory_space<hbm>> -> memref<1x80x128xi32, #tpu.memory_space<hbm>>
      %dma_wait3A_50 = tpu.memref_squeeze %dma_wait3A_49 : memref<1x80x128xi32, #tpu.memory_space<hbm>> -> memref<80x128xi32, #tpu.memory_space<hbm>>
      tpu.wait_dma2 semaphore(%run_scoped3A : memref<!tpu.dma_semaphore, #tpu.memory_space<semaphore_mem>>) src(%dma_wait3A_50 : memref<80x128xi32, #tpu.memory_space<hbm>>) dst(%arg8 : memref<80x128xi32, #tpu.memory_space<vmem>>)
      tpu.yield
    }) : () -> ()
    %barrier3A = arith.constant 0 : index
    tpu.barrier barrier_id(%barrier3A)
    %dma_start3A = arith.constant 0 : i32
    %dma_start3A_12 = arith.constant 0 : i32
    %dma_start3A_13 = tpu.memref_slice %arg7[%dma_start3A, %dma_start3A_12] : memref<80x128xi32, #tpu.memory_space<vmem>> -> memref<1x128xi32, #tpu.memory_space<vmem>>
    %dma_start3A_14 = tpu.memref_squeeze %dma_start3A_13 : memref<1x128xi32, #tpu.memory_space<vmem>> -> memref<128xi32, #tpu.memory_space<vmem>>
    %dma_start3A_15 = arith.constant 0 : i32
    %dma_start3A_16 = arith.constant 0 : i32
    %dma_start3A_17 = tpu.memref_slice %arg2[%dma_start3A_15, %dma_start3A_16] : memref<10000x64xf32, #tpu.memory_space<hbm>> -> memref<10000x64xf32, #tpu.memory_space<hbm>>
    tpu.enqueue_indirect_dma source(%dma_start3A_17 : memref<10000x64xf32, #tpu.memory_space<hbm>>) target(%arg9 : memref<128x64xf32, #tpu.memory_space<vmem>>) offsets(%dma_start3A_14 : memref<128xi32, #tpu.memory_space<vmem>>) semaphore(%arg12 : memref<!tpu.dma_semaphore, #tpu.memory_space<semaphore_mem>>)
    %scan3A = arith.constant 0 : i32
    %scan3A_18 = arith.constant 0 : i32
    %scan3A_19 = arith.constant 40 : i32
    %scan3A_20 = arith.addi %scan3A_18, %scan3A_19 : i32
    %scan3A_21 = arith.constant 1 : i32
    scf.for %scan3A_35 = %scan3A_18 to %scan3A_20 step %scan3A_21  : i32 {
      %mul3A_36 = arith.constant 2 : i32
      %mul3A_37 = arith.muli %mul3A_36, %scan3A_35 : i32
      %add3A_38 = arith.constant 0 : i32
      %add3A_39 = arith.addi %mul3A_37, %add3A_38 : i32
      %dma_wait3A_40 = arith.constant 0 : i32
      %dma_wait3A_41 = tpu.memref_slice %arg7[%add3A_39, %dma_wait3A_40] : memref<80x128xi32, #tpu.memory_space<vmem>> -> memref<1x128xi32, #tpu.memory_space<vmem>>
      %dma_wait3A_42 = tpu.memref_squeeze %dma_wait3A_41 : memref<1x128xi32, #tpu.memory_space<vmem>> -> memref<128xi32, #tpu.memory_space<vmem>>
      %dma_wait3A_43 = arith.constant 0 : i32
      %dma_wait3A_44 = arith.constant 0 : i32
      %dma_wait3A_45 = tpu.memref_slice %arg2[%dma_wait3A_43, %dma_wait3A_44] : memref<10000x64xf32, #tpu.memory_space<hbm>> -> memref<10000x64xf32, #tpu.memory_space<hbm>>
      tpu.wait_indirect_dma semaphore(%arg12 : memref<!tpu.dma_semaphore, #tpu.memory_space<semaphore_mem>>) src(%dma_wait3A_45 : memref<10000x64xf32, #tpu.memory_space<hbm>>) dst(%arg9 : memref<128x64xf32, #tpu.memory_space<vmem>>)
      %dma_start3A_46 = arith.constant 0 : i32
      %dma_start3A_47 = tpu.memref_slice %arg8[%add3A_39, %dma_start3A_46] : memref<80x128xi32, #tpu.memory_space<vmem>> -> memref<1x128xi32, #tpu.memory_space<vmem>>
      %dma_start3A_48 = tpu.memref_squeeze %dma_start3A_47 : memref<1x128xi32, #tpu.memory_space<vmem>> -> memref<128xi32, #tpu.memory_space<vmem>>
      %dma_start3A_49 = arith.constant 0 : i32
      %dma_start3A_50 = arith.constant 0 : i32
      %dma_start3A_51 = tpu.memref_slice %arg11[%dma_start3A_49, %dma_start3A_50] : memref<10016x64xf32, #tpu.memory_space<vmem_shared>> -> memref<10016x64xf32, #tpu.memory_space<vmem_shared>>
      tpu.enqueue_indirect_dma source(%arg9 : memref<128x64xf32, #tpu.memory_space<vmem>>) target(%dma_start3A_51 : memref<10016x64xf32, #tpu.memory_space<vmem_shared>>) offsets(%dma_start3A_48 : memref<128xi32, #tpu.memory_space<vmem>>) semaphore(%arg14 : memref<!tpu.dma_semaphore, #tpu.memory_space<semaphore_mem>>) {add = true}
      %ge3A = arith.constant 1 : i32
      %ge3A_52 = arith.cmpi sge, %add3A_39, %ge3A : i32
      %convert_element_type3A_53 = arith.extui %ge3A_52 : i1 to i32
      %cond3A_54 = arith.constant 0 : i32
      %cond3A_55 = arith.cmpi ne, %convert_element_type3A_53, %cond3A_54 : i32
      scf.if %cond3A_55 {
        %dma_wait3A_90 = arith.constant 0 : i32
        %dma_wait3A_91 = tpu.memref_slice %arg8[%add3A_39, %dma_wait3A_90] : memref<80x128xi32, #tpu.memory_space<vmem>> -> memref<1x128xi32, #tpu.memory_space<vmem>>
        %dma_wait3A_92 = tpu.memref_squeeze %dma_wait3A_91 : memref<1x128xi32, #tpu.memory_space<vmem>> -> memref<128xi32, #tpu.memory_space<vmem>>
        %dma_wait3A_93 = arith.constant 0 : i32
        %dma_wait3A_94 = arith.constant 0 : i32
        %dma_wait3A_95 = tpu.memref_slice %arg11[%dma_wait3A_93, %dma_wait3A_94] : memref<10016x64xf32, #tpu.memory_space<vmem_shared>> -> memref<10016x64xf32, #tpu.memory_space<vmem_shared>>
        tpu.wait_indirect_dma semaphore(%arg15 : memref<!tpu.dma_semaphore, #tpu.memory_space<semaphore_mem>>) src(%arg10 : memref<128x64xf32, #tpu.memory_space<vmem>>) dst(%dma_wait3A_95 : memref<10016x64xf32, #tpu.memory_space<vmem_shared>>)
      } else {
      }
      %add3A_56 = arith.constant 1 : i32
      %add3A_57 = arith.addi %add3A_39, %add3A_56 : i32
      %lt3A = arith.constant 80 : i32
      %lt3A_58 = arith.cmpi slt, %add3A_57, %lt3A : i32
      %convert_element_type3A_59 = arith.extui %lt3A_58 : i1 to i32
      %cond3A_60 = arith.constant 0 : i32
      %cond3A_61 = arith.cmpi ne, %convert_element_type3A_59, %cond3A_60 : i32
      scf.if %cond3A_61 {
        %add3A_90 = arith.constant 1 : i32
        %add3A_91 = arith.addi %add3A_39, %add3A_90 : i32
        %dma_start3A_92 = arith.constant 0 : i32
        %dma_start3A_93 = tpu.memref_slice %arg7[%add3A_91, %dma_start3A_92] : memref<80x128xi32, #tpu.memory_space<vmem>> -> memref<1x128xi32, #tpu.memory_space<vmem>>
        %dma_start3A_94 = tpu.memref_squeeze %dma_start3A_93 : memref<1x128xi32, #tpu.memory_space<vmem>> -> memref<128xi32, #tpu.memory_space<vmem>>
        %dma_start3A_95 = arith.constant 0 : i32
        %dma_start3A_96 = arith.constant 0 : i32
        %dma_start3A_97 = tpu.memref_slice %arg2[%dma_start3A_95, %dma_start3A_96] : memref<10000x64xf32, #tpu.memory_space<hbm>> -> memref<10000x64xf32, #tpu.memory_space<hbm>>
        tpu.enqueue_indirect_dma source(%dma_start3A_97 : memref<10000x64xf32, #tpu.memory_space<hbm>>) target(%arg10 : memref<128x64xf32, #tpu.memory_space<vmem>>) offsets(%dma_start3A_94 : memref<128xi32, #tpu.memory_space<vmem>>) semaphore(%arg13 : memref<!tpu.dma_semaphore, #tpu.memory_space<semaphore_mem>>)
      } else {
      }
      %mul3A_62 = arith.constant 2 : i32
      %mul3A_63 = arith.muli %mul3A_62, %scan3A_35 : i32
      %add3A_64 = arith.constant 1 : i32
      %add3A_65 = arith.addi %mul3A_63, %add3A_64 : i32
      %dma_wait3A_66 = arith.constant 0 : i32
      %dma_wait3A_67 = tpu.memref_slice %arg7[%add3A_65, %dma_wait3A_66] : memref<80x128xi32, #tpu.memory_space<vmem>> -> memref<1x128xi32, #tpu.memory_space<vmem>>
      %dma_wait3A_68 = tpu.memref_squeeze %dma_wait3A_67 : memref<1x128xi32, #tpu.memory_space<vmem>> -> memref<128xi32, #tpu.memory_space<vmem>>
      %dma_wait3A_69 = arith.constant 0 : i32
      %dma_wait3A_70 = arith.constant 0 : i32
      %dma_wait3A_71 = tpu.memref_slice %arg2[%dma_wait3A_69, %dma_wait3A_70] : memref<10000x64xf32, #tpu.memory_space<hbm>> -> memref<10000x64xf32, #tpu.memory_space<hbm>>
      tpu.wait_indirect_dma semaphore(%arg13 : memref<!tpu.dma_semaphore, #tpu.memory_space<semaphore_mem>>) src(%dma_wait3A_71 : memref<10000x64xf32, #tpu.memory_space<hbm>>) dst(%arg10 : memref<128x64xf32, #tpu.memory_space<vmem>>)
      %dma_start3A_72 = arith.constant 0 : i32
      %dma_start3A_73 = tpu.memref_slice %arg8[%add3A_65, %dma_start3A_72] : memref<80x128xi32, #tpu.memory_space<vmem>> -> memref<1x128xi32, #tpu.memory_space<vmem>>
      %dma_start3A_74 = tpu.memref_squeeze %dma_start3A_73 : memref<1x128xi32, #tpu.memory_space<vmem>> -> memref<128xi32, #tpu.memory_space<vmem>>
      %dma_start3A_75 = arith.constant 0 : i32
      %dma_start3A_76 = arith.constant 0 : i32
      %dma_start3A_77 = tpu.memref_slice %arg11[%dma_start3A_75, %dma_start3A_76] : memref<10016x64xf32, #tpu.memory_space<vmem_shared>> -> memref<10016x64xf32, #tpu.memory_space<vmem_shared>>
      tpu.enqueue_indirect_dma source(%arg10 : memref<128x64xf32, #tpu.memory_space<vmem>>) target(%dma_start3A_77 : memref<10016x64xf32, #tpu.memory_space<vmem_shared>>) offsets(%dma_start3A_74 : memref<128xi32, #tpu.memory_space<vmem>>) semaphore(%arg15 : memref<!tpu.dma_semaphore, #tpu.memory_space<semaphore_mem>>) {add = true}
      %ge3A_78 = arith.constant 1 : i32
      %ge3A_79 = arith.cmpi sge, %add3A_65, %ge3A_78 : i32
      %convert_element_type3A_80 = arith.extui %ge3A_79 : i1 to i32
      %cond3A_81 = arith.constant 0 : i32
      %cond3A_82 = arith.cmpi ne, %convert_element_type3A_80, %cond3A_81 : i32
      scf.if %cond3A_82 {
        %dma_wait3A_90 = arith.constant 0 : i32
        %dma_wait3A_91 = tpu.memref_slice %arg8[%add3A_65, %dma_wait3A_90] : memref<80x128xi32, #tpu.memory_space<vmem>> -> memref<1x128xi32, #tpu.memory_space<vmem>>
        %dma_wait3A_92 = tpu.memref_squeeze %dma_wait3A_91 : memref<1x128xi32, #tpu.memory_space<vmem>> -> memref<128xi32, #tpu.memory_space<vmem>>
        %dma_wait3A_93 = arith.constant 0 : i32
        %dma_wait3A_94 = arith.constant 0 : i32
        %dma_wait3A_95 = tpu.memref_slice %arg11[%dma_wait3A_93, %dma_wait3A_94] : memref<10016x64xf32, #tpu.memory_space<vmem_shared>> -> memref<10016x64xf32, #tpu.memory_space<vmem_shared>>
        tpu.wait_indirect_dma semaphore(%arg14 : memref<!tpu.dma_semaphore, #tpu.memory_space<semaphore_mem>>) src(%arg9 : memref<128x64xf32, #tpu.memory_space<vmem>>) dst(%dma_wait3A_95 : memref<10016x64xf32, #tpu.memory_space<vmem_shared>>)
      } else {
      }
      %add3A_83 = arith.constant 1 : i32
      %add3A_84 = arith.addi %add3A_65, %add3A_83 : i32
      %lt3A_85 = arith.constant 80 : i32
      %lt3A_86 = arith.cmpi slt, %add3A_84, %lt3A_85 : i32
      %convert_element_type3A_87 = arith.extui %lt3A_86 : i1 to i32
      %cond3A_88 = arith.constant 0 : i32
      %cond3A_89 = arith.cmpi ne, %convert_element_type3A_87, %cond3A_88 : i32
      scf.if %cond3A_89 {
        %add3A_90 = arith.constant 1 : i32
        %add3A_91 = arith.addi %add3A_65, %add3A_90 : i32
        %dma_start3A_92 = arith.constant 0 : i32
        %dma_start3A_93 = tpu.memref_slice %arg7[%add3A_91, %dma_start3A_92] : memref<80x128xi32, #tpu.memory_space<vmem>> -> memref<1x128xi32, #tpu.memory_space<vmem>>
        %dma_start3A_94 = tpu.memref_squeeze %dma_start3A_93 : memref<1x128xi32, #tpu.memory_space<vmem>> -> memref<128xi32, #tpu.memory_space<vmem>>
        %dma_start3A_95 = arith.constant 0 : i32
        %dma_start3A_96 = arith.constant 0 : i32
        %dma_start3A_97 = tpu.memref_slice %arg2[%dma_start3A_95, %dma_start3A_96] : memref<10000x64xf32, #tpu.memory_space<hbm>> -> memref<10000x64xf32, #tpu.memory_space<hbm>>
        tpu.enqueue_indirect_dma source(%dma_start3A_97 : memref<10000x64xf32, #tpu.memory_space<hbm>>) target(%arg9 : memref<128x64xf32, #tpu.memory_space<vmem>>) offsets(%dma_start3A_94 : memref<128xi32, #tpu.memory_space<vmem>>) semaphore(%arg12 : memref<!tpu.dma_semaphore, #tpu.memory_space<semaphore_mem>>)
      } else {
      }
    }
    %scan3A_22 = arith.constant 40 : i32
    %dma_wait3A = arith.constant 0 : i32
    %dma_wait3A_23 = arith.constant 0 : i32
    %dma_wait3A_24 = tpu.memref_slice %arg8[%dma_wait3A, %dma_wait3A_23] : memref<80x128xi32, #tpu.memory_space<vmem>> -> memref<1x128xi32, #tpu.memory_space<vmem>>
    %dma_wait3A_25 = tpu.memref_squeeze %dma_wait3A_24 : memref<1x128xi32, #tpu.memory_space<vmem>> -> memref<128xi32, #tpu.memory_space<vmem>>
    %dma_wait3A_26 = arith.constant 0 : i32
    %dma_wait3A_27 = arith.constant 0 : i32
    %dma_wait3A_28 = tpu.memref_slice %arg11[%dma_wait3A_26, %dma_wait3A_27] : memref<10016x64xf32, #tpu.memory_space<vmem_shared>> -> memref<10016x64xf32, #tpu.memory_space<vmem_shared>>
    tpu.wait_indirect_dma semaphore(%arg15 : memref<!tpu.dma_semaphore, #tpu.memory_space<semaphore_mem>>) src(%arg10 : memref<128x64xf32, #tpu.memory_space<vmem>>) dst(%dma_wait3A_28 : memref<10016x64xf32, #tpu.memory_space<vmem_shared>>)
    %barrier3A_29 = arith.constant 0 : index
    tpu.barrier barrier_id(%barrier3A_29)
    %eq3A_30 = arith.constant 0 : i32
    %eq3A_31 = arith.cmpi eq, %arg1, %eq3A_30 : i32
    %convert_element_type3A_32 = arith.extui %eq3A_31 : i1 to i32
    %cond3A_33 = arith.constant 0 : i32
    %cond3A_34 = arith.cmpi ne, %convert_element_type3A_32, %cond3A_33 : i32
    scf.if %cond3A_34 {
      "tpu.region"() ({
        %run_scoped3A = tpu.sem_alloc : memref<!tpu.dma_semaphore, #tpu.memory_space<semaphore_mem>>
        %dma_start3A_35 = arith.constant 0 : i32
        %dma_start3A_36 = arith.constant 0 : i32
        %dma_start3A_37 = tpu.memref_slice %arg6[%arg0, %dma_start3A_35, %dma_start3A_36] : memref<2x10000x64xf32, #tpu.memory_space<hbm>> -> memref<1x10000x64xf32, #tpu.memory_space<hbm>>
        %dma_start3A_38 = tpu.memref_squeeze %dma_start3A_37 : memref<1x10000x64xf32, #tpu.memory_space<hbm>> -> memref<10000x64xf32, #tpu.memory_space<hbm>>
        %dma_start3A_39 = arith.constant 0 : i32
        %dma_start3A_40 = arith.constant 0 : i32
        %dma_start3A_41 = tpu.memref_slice %arg11[%dma_start3A_39, %dma_start3A_40] : memref<10016x64xf32, #tpu.memory_space<vmem_shared>> -> memref<10000x64xf32, #tpu.memory_space<vmem_shared>>
        tpu.enqueue_dma source(%dma_start3A_41 : memref<10000x64xf32, #tpu.memory_space<vmem_shared>>) target(%dma_start3A_38 : memref<10000x64xf32, #tpu.memory_space<hbm>>) target_semaphore(%run_scoped3A : memref<!tpu.dma_semaphore, #tpu.memory_space<semaphore_mem>>)
        %dma_wait3A_42 = arith.constant 0 : i32
        %dma_wait3A_43 = arith.constant 0 : i32
        %dma_wait3A_44 = tpu.memref_slice %arg6[%arg0, %dma_wait3A_42, %dma_wait3A_43] : memref<2x10000x64xf32, #tpu.memory_space<hbm>> -> memref<1x10000x64xf32, #tpu.memory_space<hbm>>
        %dma_wait3A_45 = tpu.memref_squeeze %dma_wait3A_44 : memref<1x10000x64xf32, #tpu.memory_space<hbm>> -> memref<10000x64xf32, #tpu.memory_space<hbm>>
        %dma_wait3A_46 = arith.constant 0 : i32
        %dma_wait3A_47 = arith.constant 0 : i32
        %dma_wait3A_48 = tpu.memref_slice %arg11[%dma_wait3A_46, %dma_wait3A_47] : memref<10016x64xf32, #tpu.memory_space<vmem_shared>> -> memref<10000x64xf32, #tpu.memory_space<vmem_shared>>
        tpu.wait_dma2 semaphore(%run_scoped3A : memref<!tpu.dma_semaphore, #tpu.memory_space<semaphore_mem>>) src(%dma_wait3A_48 : memref<10000x64xf32, #tpu.memory_space<vmem_shared>>) dst(%dma_wait3A_45 : memref<10000x64xf32, #tpu.memory_space<hbm>>)
        tpu.yield
      }) : () -> ()
    } else {
    }
    return
  }
}

module attributes {stable_mosaic.version = 14 : i64} {
  func.func @body(%arg0: i32, %arg1: memref<1000x2xf32, #tpu.memory_space<vmem>>, %arg2: memref<1000x128xf32, #tpu.memory_space<vmem>>, %arg3: memref<128x64xf32, #tpu.memory_space<vmem>>, %arg4: memref<1000x1xf32, #tpu.memory_space<vmem>>, %arg5: memref<1000x64xf32, #tpu.memory_space<vmem>>) attributes {dimension_semantics = [#tpu.dimension_semantics<arbitrary>], iteration_bounds = array<i64: 10>, scalar_prefetch = 0 : i64, scratch_operands = 0 : i64, tpu.core_type = #tpu.core_type<tc>, window_params = [{transform_indices = @transform_0, window_bounds = array<i64: 1000, 2>}, {transform_indices = @transform_1, window_bounds = array<i64: 1000, 128>}, {pipeline_mode = #tpu.pipeline_mode<synchronous>, transform_indices = @transform_2, window_bounds = array<i64: 128, 64>}, {transform_indices = @transform_3, window_bounds = array<i64: 1000, 1>}, {transform_indices = @transform_4, window_bounds = array<i64: 1000, 64>}]} {
    %get3A = arith.constant 0 : index
    %get3A_0 = arith.constant 0 : index
    %get3A_1 = vector.load %arg1[%get3A, %get3A_0] : memref<1000x2xf32, #tpu.memory_space<vmem>>, vector<1000x2xf32>
    %slice3A = vector.extract_strided_slice %get3A_1 {offsets = [0, 0], sizes = [1000, 1], strides = [1, 1]} : vector<1000x2xf32> to vector<1000x1xf32>
    %slice3A_2 = vector.extract_strided_slice %get3A_1 {offsets = [0, 1], sizes = [1000, 1], strides = [1, 1]} : vector<1000x2xf32> to vector<1000x1xf32>
    %add3A = arith.addf %slice3A, %slice3A_2 : vector<1000x1xf32>
    %add3A_3 = arith.constant 1.000000e+00 : f32
    %add3A_4 = vector.broadcast %add3A_3 : f32 to vector<1000x1xf32>
    %add3A_5 = arith.addf %add3A, %add3A_4 : vector<1000x1xf32>
    %rsqrt3A = math.rsqrt %add3A_5 : vector<1000x1xf32>
    %swap3A = arith.constant 0 : index
    %swap3A_6 = arith.constant 0 : index
    %swap3A_7 = vector.load %arg4[%swap3A, %swap3A_6] : memref<1000x1xf32, #tpu.memory_space<vmem>>, vector<1000x1xf32>
    tpu.vector_store %arg4[%swap3A, %swap3A_6], %rsqrt3A {strides = array<i32>} : memref<1000x1xf32, #tpu.memory_space<vmem>>, vector<1000x1xf32>,
    %get3A_8 = arith.constant 0 : index
    %get3A_9 = arith.constant 0 : index
    %get3A_10 = vector.load %arg2[%get3A_8, %get3A_9] : memref<1000x128xf32, #tpu.memory_space<vmem>>, vector<1000x128xf32>
    %get3A_11 = arith.constant 0 : index
    %get3A_12 = arith.constant 0 : index
    %get3A_13 = vector.load %arg3[%get3A_11, %get3A_12] : memref<128x64xf32, #tpu.memory_space<vmem>>, vector<128x64xf32>
    %dot_general3A = arith.constant dense<0.000000e+00> : vector<1000x64xf32>
    %dot_general3A_14 = tpu.matmul %get3A_10, %get3A_13, %dot_general3A {dimension_numbers = #tpu.dot_dimension_numbers<[1], [0], [0], [1], [0, 0, 1, 1], [], []>, transpose_lhs_hint = false} : vector<1000x128xf32>, vector<128x64xf32>, vector<1000x64xf32> -> vector<1000x64xf32>
    %mul3A = vector.broadcast %rsqrt3A : vector<1000x1xf32> to vector<1000x64xf32>
    %mul3A_15 = arith.mulf %mul3A, %dot_general3A_14 : vector<1000x64xf32>
    %swap3A_16 = arith.constant 0 : index
    %swap3A_17 = arith.constant 0 : index
    %swap3A_18 = vector.load %arg5[%swap3A_16, %swap3A_17] : memref<1000x64xf32, #tpu.memory_space<vmem>>, vector<1000x64xf32>
    tpu.vector_store %arg5[%swap3A_16, %swap3A_17], %mul3A_15 {strides = array<i32>} : memref<1000x64xf32, #tpu.memory_space<vmem>>, vector<1000x64xf32>,
    return
  }
  func.func @transform_0(%arg0: i32) -> (i32, i32) {
    %c0_i32 = arith.constant 0 : i32
    %c0_i32_0 = arith.constant 0 : i32
    return %arg0, %c0_i32 : i32, i32
  }
  func.func @transform_1(%arg0: i32) -> (i32, i32) {
    %c0_i32 = arith.constant 0 : i32
    %c0_i32_0 = arith.constant 0 : i32
    return %arg0, %c0_i32 : i32, i32
  }
  func.func @transform_2(%arg0: i32) -> (i32, i32) {
    %c0_i32 = arith.constant 0 : i32
    %c0_i32_0 = arith.constant 0 : i32
    %c0_i32_1 = arith.constant 0 : i32
    return %c0_i32, %c0_i32_0 : i32, i32
  }
  func.func @transform_3(%arg0: i32) -> (i32, i32) {
    %c0_i32 = arith.constant 0 : i32
    %c0_i32_0 = arith.constant 0 : i32
    return %arg0, %c0_i32 : i32, i32
  }
  func.func @transform_4(%arg0: i32) -> (i32, i32) {
    %c0_i32 = arith.constant 0 : i32
    %c0_i32_0 = arith.constant 0 : i32
    return %arg0, %c0_i32 : i32, i32
  }
}

module attributes {stable_mosaic.version = 14 : i64} {
  func.func @body(%arg0: i32, %arg1: memref<2x1000x64xf32, #tpu.memory_space<vmem>>, %arg2: memref<1000x1xf32, #tpu.memory_space<vmem>>, %arg3: memref<1x64xf32, #tpu.memory_space<vmem>>, %arg4: memref<64x64xf32, #tpu.memory_space<vmem>>, %arg5: memref<1000x64xf32, #tpu.memory_space<vmem>>) attributes {dimension_semantics = [#tpu.dimension_semantics<arbitrary>], iteration_bounds = array<i64: 10>, scalar_prefetch = 0 : i64, scratch_operands = 0 : i64, tpu.core_type = #tpu.core_type<tc>, window_params = [{transform_indices = @transform_0, window_bounds = array<i64: 2, 1000, 64>}, {transform_indices = @transform_1, window_bounds = array<i64: 1000, 1>}, {pipeline_mode = #tpu.pipeline_mode<synchronous>, transform_indices = @transform_2, window_bounds = array<i64: 1, 64>}, {pipeline_mode = #tpu.pipeline_mode<synchronous>, transform_indices = @transform_3, window_bounds = array<i64: 64, 64>}, {transform_indices = @transform_4, window_bounds = array<i64: 1000, 64>}]} {
    %get3A = arith.constant 0 : index
    %get3A_0 = arith.constant 0 : index
    %get3A_1 = vector.load %arg2[%get3A, %get3A_0] : memref<1000x1xf32, #tpu.memory_space<vmem>>, vector<1000x1xf32>
    %get3A_2 = arith.constant 0 : index
    %get3A_3 = arith.constant 0 : index
    %get3A_4 = arith.constant 0 : index
    %get3A_5 = vector.load %arg1[%get3A_2, %get3A_3, %get3A_4] : memref<2x1000x64xf32, #tpu.memory_space<vmem>>, vector<1x1000x64xf32>
    %get3A_6 = vector.shape_cast %get3A_5 : vector<1x1000x64xf32> to vector<1000x64xf32>
    %get3A_7 = arith.constant 1 : index
    %get3A_8 = arith.constant 0 : index
    %get3A_9 = arith.constant 0 : index
    %get3A_10 = vector.load %arg1[%get3A_7, %get3A_8, %get3A_9] : memref<2x1000x64xf32, #tpu.memory_space<vmem>>, vector<1x1000x64xf32>
    %get3A_11 = vector.shape_cast %get3A_10 : vector<1x1000x64xf32> to vector<1000x64xf32>
    %add3A = arith.addf %get3A_6, %get3A_11 : vector<1000x64xf32>
    %mul3A = vector.broadcast %get3A_1 : vector<1000x1xf32> to vector<1000x64xf32>
    %mul3A_12 = arith.mulf %mul3A, %add3A : vector<1000x64xf32>
    %get3A_13 = arith.constant 0 : index
    %get3A_14 = arith.constant 0 : index
    %get3A_15 = vector.load %arg3[%get3A_13, %get3A_14] : memref<1x64xf32, #tpu.memory_space<vmem>>, vector<1x64xf32>
    %add3A_16 = vector.broadcast %get3A_15 : vector<1x64xf32> to vector<1000x64xf32>
    %add3A_17 = arith.addf %mul3A_12, %add3A_16 : vector<1000x64xf32>
    %max3A = arith.constant 0.000000e+00 : f32
    %max3A_18 = vector.broadcast %max3A : f32 to vector<1000x64xf32>
    %max3A_19 = arith.maximumf %add3A_17, %max3A_18 : vector<1000x64xf32>
    %get3A_20 = arith.constant 0 : index
    %get3A_21 = arith.constant 0 : index
    %get3A_22 = vector.load %arg4[%get3A_20, %get3A_21] : memref<64x64xf32, #tpu.memory_space<vmem>>, vector<64x64xf32>
    %dot_general3A = arith.constant dense<0.000000e+00> : vector<1000x64xf32>
    %dot_general3A_23 = tpu.matmul %max3A_19, %get3A_22, %dot_general3A {dimension_numbers = #tpu.dot_dimension_numbers<[1], [0], [0], [1], [0, 0, 1, 1], [], []>, transpose_lhs_hint = false} : vector<1000x64xf32>, vector<64x64xf32>, vector<1000x64xf32> -> vector<1000x64xf32>
    %mul3A_24 = vector.broadcast %get3A_1 : vector<1000x1xf32> to vector<1000x64xf32>
    %mul3A_25 = arith.mulf %mul3A_24, %dot_general3A_23 : vector<1000x64xf32>
    %swap3A = arith.constant 0 : index
    %swap3A_26 = arith.constant 0 : index
    %swap3A_27 = vector.load %arg5[%swap3A, %swap3A_26] : memref<1000x64xf32, #tpu.memory_space<vmem>>, vector<1000x64xf32>
    tpu.vector_store %arg5[%swap3A, %swap3A_26], %mul3A_25 {strides = array<i32>} : memref<1000x64xf32, #tpu.memory_space<vmem>>, vector<1000x64xf32>,
    return
  }
  func.func @transform_0(%arg0: i32) -> (i32, i32, i32) {
    %c0_i32 = arith.constant 0 : i32
    %c0_i32_0 = arith.constant 0 : i32
    %c0_i32_1 = arith.constant 0 : i32
    return %c0_i32, %arg0, %c0_i32_0 : i32, i32, i32
  }
  func.func @transform_1(%arg0: i32) -> (i32, i32) {
    %c0_i32 = arith.constant 0 : i32
    %c0_i32_0 = arith.constant 0 : i32
    return %arg0, %c0_i32 : i32, i32
  }
  func.func @transform_2(%arg0: i32) -> (i32, i32) {
    %c0_i32 = arith.constant 0 : i32
    %c0_i32_0 = arith.constant 0 : i32
    %c0_i32_1 = arith.constant 0 : i32
    return %c0_i32, %c0_i32_0 : i32, i32
  }
  func.func @transform_3(%arg0: i32) -> (i32, i32) {
    %c0_i32 = arith.constant 0 : i32
    %c0_i32_0 = arith.constant 0 : i32
    %c0_i32_1 = arith.constant 0 : i32
    return %c0_i32, %c0_i32_0 : i32, i32
  }
  func.func @transform_4(%arg0: i32) -> (i32, i32) {
    %c0_i32 = arith.constant 0 : i32
    %c0_i32_0 = arith.constant 0 : i32
    return %arg0, %c0_i32 : i32, i32
  }
}

module attributes {stable_mosaic.version = 14 : i64} {
  func.func @body(%arg0: i32, %arg1: memref<2x1000x64xf32, #tpu.memory_space<vmem>>, %arg2: memref<1000x1xf32, #tpu.memory_space<vmem>>, %arg3: memref<1x64xf32, #tpu.memory_space<vmem>>, %arg4: memref<1000x64xf32, #tpu.memory_space<vmem>>) attributes {dimension_semantics = [#tpu.dimension_semantics<arbitrary>], iteration_bounds = array<i64: 10>, scalar_prefetch = 0 : i64, scratch_operands = 0 : i64, tpu.core_type = #tpu.core_type<tc>, window_params = [{transform_indices = @transform_0, window_bounds = array<i64: 2, 1000, 64>}, {transform_indices = @transform_1, window_bounds = array<i64: 1000, 1>}, {pipeline_mode = #tpu.pipeline_mode<synchronous>, transform_indices = @transform_2, window_bounds = array<i64: 1, 64>}, {transform_indices = @transform_3, window_bounds = array<i64: 1000, 64>}]} {
    %get3A = arith.constant 0 : index
    %get3A_0 = arith.constant 0 : index
    %get3A_1 = vector.load %arg2[%get3A, %get3A_0] : memref<1000x1xf32, #tpu.memory_space<vmem>>, vector<1000x1xf32>
    %get3A_2 = arith.constant 0 : index
    %get3A_3 = arith.constant 0 : index
    %get3A_4 = arith.constant 0 : index
    %get3A_5 = vector.load %arg1[%get3A_2, %get3A_3, %get3A_4] : memref<2x1000x64xf32, #tpu.memory_space<vmem>>, vector<1x1000x64xf32>
    %get3A_6 = vector.shape_cast %get3A_5 : vector<1x1000x64xf32> to vector<1000x64xf32>
    %get3A_7 = arith.constant 1 : index
    %get3A_8 = arith.constant 0 : index
    %get3A_9 = arith.constant 0 : index
    %get3A_10 = vector.load %arg1[%get3A_7, %get3A_8, %get3A_9] : memref<2x1000x64xf32, #tpu.memory_space<vmem>>, vector<1x1000x64xf32>
    %get3A_11 = vector.shape_cast %get3A_10 : vector<1x1000x64xf32> to vector<1000x64xf32>
    %add3A = arith.addf %get3A_6, %get3A_11 : vector<1000x64xf32>
    %mul3A = vector.broadcast %get3A_1 : vector<1000x1xf32> to vector<1000x64xf32>
    %mul3A_12 = arith.mulf %mul3A, %add3A : vector<1000x64xf32>
    %get3A_13 = arith.constant 0 : index
    %get3A_14 = arith.constant 0 : index
    %get3A_15 = vector.load %arg3[%get3A_13, %get3A_14] : memref<1x64xf32, #tpu.memory_space<vmem>>, vector<1x64xf32>
    %add3A_16 = vector.broadcast %get3A_15 : vector<1x64xf32> to vector<1000x64xf32>
    %add3A_17 = arith.addf %mul3A_12, %add3A_16 : vector<1000x64xf32>
    %swap3A = arith.constant 0 : index
    %swap3A_18 = arith.constant 0 : index
    %swap3A_19 = vector.load %arg4[%swap3A, %swap3A_18] : memref<1000x64xf32, #tpu.memory_space<vmem>>, vector<1000x64xf32>
    tpu.vector_store %arg4[%swap3A, %swap3A_18], %add3A_17 {strides = array<i32>} : memref<1000x64xf32, #tpu.memory_space<vmem>>, vector<1000x64xf32>,
    return
  }
  func.func @transform_0(%arg0: i32) -> (i32, i32, i32) {
    %c0_i32 = arith.constant 0 : i32
    %c0_i32_0 = arith.constant 0 : i32
    %c0_i32_1 = arith.constant 0 : i32
    return %c0_i32, %arg0, %c0_i32_0 : i32, i32, i32
  }
  func.func @transform_1(%arg0: i32) -> (i32, i32) {
    %c0_i32 = arith.constant 0 : i32
    %c0_i32_0 = arith.constant 0 : i32
    return %arg0, %c0_i32 : i32, i32
  }
  func.func @transform_2(%arg0: i32) -> (i32, i32) {
    %c0_i32 = arith.constant 0 : i32
    %c0_i32_0 = arith.constant 0 : i32
    %c0_i32_1 = arith.constant 0 : i32
    return %c0_i32, %c0_i32_0 : i32, i32
  }
  func.func @transform_3(%arg0: i32) -> (i32, i32) {
    %c0_i32 = arith.constant 0 : i32
    %c0_i32_0 = arith.constant 0 : i32
    return %arg0, %c0_i32 : i32, i32
  }
}

</mosaic_0001>

<sc_bundles>
// kernel: kernel.10.cloned.1.call-start
scs
__scs_entry_jumppad:
0x0: {  	(pc) =	sbr.rel $0x88, $3  }
0x1: {  	(tag) =	ssettag $0x0;
	lr =	simm.s32 $0x1  }
0x2: {  	[smem:$0x3F97] =	sst lr;
	_ =	strace $0xD0000000  }
0x3: {  	_ = 	snop  }
0x4: {  	_ = 	snop  }
0x5: {  	_ = 	snop  }
0x6: {  	_ = 	snop  }
0x7: {  	_ = 	snop  }
__scs_overlays_trampoline_lowered:
0x8: {  	[smem:$0x3FA6] =	sst s0  }
0x9: {  	[smem:$0x3FA7] =	sst s1  }
0xa: {  	[smem:$0x3FA8] =	sst s2  }
0xb: {  	[smem:$0x3FA9] =	sst s3  }
0xc: {  	[smem:$0x3FAA] =	sst s4  }
0xd: {  	[smem:$0x3FAB] =	sst s5  }
0xe: {  	[smem:$0x3FAC] =	sst s6  }
0xf: {  	[smem:$0x3FAD] =	sst s7  }
0x10: {  	[smem:$0x3FAE] =	sst s8  }
0x11: {  	[smem:$0x3FAF] =	sst s9;
	s0 =	simm.s32 @!p0 $0x0  }
0x12: {  	s1 =	sld [smem:$0x3F95];
	s0 =	simm.s32 @p0 $0x1  }
0x13: {  	[smem:$0x3FB0] =	sst s0;
	s0 =	simm.s32 @!p1 $0x0  }
0x14: {  	s2 =	sld [smem:$0x3F94];
	s0 =	simm.s32 @p1 $0x1  }
0x15: {  	[smem:$0x3FB1] =	sst s0;
	s0 =	simm.s32 @!p2 $0x0  }
0x16: {  	s3 =	sld [smem:$0x3FDB];
	s0 =	simm.s32 @p2 $0x1  }
0x17: {  	s4 =	simm.s32 $0x1BF5;
	[smem:$0x3FB3] =	sst s0  }
0x18: {  	s0 =	sld [smem:$0x3F96];
	_ =	swait.ge [sflag:s4], $0x0  }
0x19: {  	s7 =	sld [smem:$0x3F97]  }
0x1a: {  	s8 =	sadd.s32 $0xFFFFE003, lr  }
0x1b: {  	s9 =	sadd.s32 $0xFFFFFEF7, lr;
	s5 =	simm.s32 $0xFFFFFFFF;
	p2 =	slt.u32 s8, $0xFFFFF086  }
0x1c: {  	p1 =	slt.u32 s9, $0xF7A;
	s5 =	simm.s32 @!p2 $0x0  }
0x1d: {  	s5 =	simm.s32 @p1 $0x1;
	p0 =	seq.s32 s7, s2  }
0x1e: {  	s7 =	smul.u32 @!p0 $0xF7A, s2;
	p2 =	seq.s32 @!p0 s5, $0x0  }
0x1f: {  	s9 =	smul.u32 $0xF7A, s1;
	s8 =	simm.s32 @!p0 $0x1BF5;
	p2 =	por !p2, p0  }
0x20: {  	[sflag:s8] =	ssyncset.s32 @!p0 $0xFFFFF086;
	s6 =	sadd.s32 @!p0 s3, s7;
	s7 =	simm.s32 @!p0 $0x108  }
0x21: {  	s3 =	sadd.s32 s3, s9;
	s6 =	sadd.s32 @!p0 $0x88, s6;
	s7 =	simm.s32 @p2 $0x1082  }
0x22: {  	[simem:s7], [sflag:s8] =	dma.local @!p0 [hbm:s6], $0xF7A  }
0x23: {  	s9 =	sor.u32 $0xD0000000, s2;
	s6 =	simm.s32 $0x108;
	_ =	swait.ge @!p0 [sflag:s8], $0x0  }
0x24: {  	s3 =	sadd.s32 $0x88, s3;
	s6 =	simm.s32 @!p1 $0x1082;
	[sflag:s4] =	ssyncset.s32 $0xFFFFF086  }
0x25: {  	[simem:s6], [sflag:s4] =	dma.local [hbm:s3], $0xF7A  }
0x26: {  	[smem:$0x3F97] =	sst s1;
	(tag) =	ssettag s2;
	_ =	strace s9  }
0x27: {  	s1 =	sld [smem:$0x3FA7]  }
0x28: {  	s2 =	sld [smem:$0x3FA8]  }
0x29: {  	s4 =	sld [smem:$0x3FAA]  }
0x2a: {  	p0 =	seq.s32 s5, $0x0;
	s5 =	sld [smem:$0x3FAB]  }
0x2b: {  	s6 =	sld [smem:$0x3FAC]  }
0x2c: {  	s7 =	sld [smem:$0x3FAD]  }
0x2d: {  	s3 =	simm.s32 $0x108;
	s8 =	sld [smem:$0x3FAE]  }
0x2e: {  	s3 =	simm.s32 @!p0 $0x1082;
	s9 =	sld [smem:$0x3FAF]  }
0x2f: {  	lr =	sadd.s32 s0, s3;
	s0 =	sld [smem:$0x3FA6]  }
0x30: {  	s3 =	sld [smem:$0x3FA9]  }
0x31: {  	[smem:$0x3FB2] =	sst s10  }
0x32: {  	s10 =	sld [smem:$0x3FB0];
	_ =	sdelay $0x3  }
0x33: {  	p0 =	seq.s32 s10, $0x1;
	s10 =	sld [smem:$0x3FB2];
	_ =	sdelay $0x3  }
0x34: {  	[smem:$0x3FB2] =	sst s10  }
0x35: {  	s10 =	sld [smem:$0x3FB1];
	_ =	sdelay $0x3  }
0x36: {  	p1 =	seq.s32 s10, $0x1;
	s10 =	sld [smem:$0x3FB2];
	_ =	sdelay $0x3  }
0x37: {  	[smem:$0x3FB2] =	sst s10  }
0x38: {  	s10 =	sld [smem:$0x3FB3]  }
0x39: {  	_ = 	snop;
	(pc) =	sbr.ind lr, $3  }
0x3a: {  	_ = 	snop  }
0x3b: {  	_ = 	snop  }
0x3c: {  	p2 =	seq.s32 s10, $0x1;
	s10 =	sld [smem:$0x3FB2]  }
0x3d: {  	_ =	shalt  }
0x3e: {  	_ =	shalt  }
0x3f: {  	_ =	shalt  }
0x40: {  	_ =	shalt  }
0x41: {  	_ =	shalt  }
0x42: {  	_ =	shalt  }
0x43: {  	_ =	shalt  }
0x44: {  	_ =	shalt  }
0x45: {  	_ =	shalt  }
0x46: {  	_ =	shalt  }
0x47: {  	_ =	shalt  }
0x48: {  	_ =	shalt  }
0x49: {  	_ =	shalt  }
0x4a: {  	_ =	shalt  }
0x4b: {  	_ =	shalt  }
0x4c: {  	_ =	shalt  }
0x4d: {  	_ =	shalt  }
0x4e: {  	_ =	shalt  }
0x4f: {  	_ =	shalt  }
0x50: {  	_ =	shalt  }
0x51: {  	_ =	shalt  }
0x52: {  	_ =	shalt  }
0x53: {  	_ =	shalt  }
0x54: {  	_ =	shalt  }
0x55: {  	_ =	shalt  }
0x56: {  	_ =	shalt  }
0x57: {  	_ =	shalt  }
0x58: {  	_ =	shalt  }
0x59: {  	_ =	shalt  }
0x5a: {  	_ =	shalt  }
0x5b: {  	_ =	shalt  }
0x5c: {  	_ =	shalt  }
0x5d: {  	_ =	shalt  }
0x5e: {  	_ =	shalt  }
0x5f: {  	_ =	shalt  }
0x60: {  	_ =	shalt  }
0x61: {  	_ =	shalt  }
0x62: {  	_ =	shalt  }
0x63: {  	_ =	shalt  }
0x64: {  	_ =	shalt  }
0x65: {  	_ =	shalt  }
0x66: {  	_ =	shalt  }
0x67: {  	_ =	shalt  }
0x68: {  	_ =	shalt  }
0x69: {  	_ =	shalt  }
0x6a: {  	_ =	shalt  }
0x6b: {  	_ =	shalt  }
0x6c: {  	_ =	shalt  }
0x6d: {  	_ =	shalt  }
0x6e: {  	_ =	shalt  }
0x6f: {  	_ =	shalt  }
0x70: {  	_ =	shalt  }
0x71: {  	_ =	shalt  }
0x72: {  	_ =	shalt  }
0x73: {  	_ =	shalt  }
0x74: {  	_ =	shalt  }
0x75: {  	_ =	shalt  }
0x76: {  	_ =	shalt  }
0x77: {  	_ =	shalt  }
0x78: {  	_ =	shalt  }
0x79: {  	_ =	shalt  }
0x7a: {  	_ =	shalt  }
0x7b: {  	_ =	shalt  }
0x7c: {  	_ =	shalt  }
0x7d: {  	_ =	shalt  }
0x7e: {  	_ =	shalt  }
0x7f: {  	_ =	shalt  }
0x80: {  	_ =	shalt  }
0x81: {  	_ =	shalt  }
0x82: {  	_ =	shalt  }
0x83: {  	_ =	shalt  }
0x84: {  	_ =	shalt  }
0x85: {  	_ =	shalt  }
0x86: {  	_ =	shalt  }
0x87: {  	_ =	shalt  }
.Lfunc_end0:
.L_simem_size_0:
called_computation_lowered:
.L_overlay_start_0:
0x88: {  	s2 =	sld [smem:$0x3FD9]  }
0x89: {  	s3 =	sld [smem:$0x3FFE];
	_ =	sdelay $0x1  }
0x8a: {  	s1 =	srdreg.scid  }
0x8b: {  	s0 =	sand.u32 $0x1, s1  }
0x8c: {  	s14 =	sshll.u32 s0, $0xA;
	s2 =	sadd.s32 s3, s2  }
0x8d: {  	s2 =	sadd.s32 s2, s14  }
0x8e: {  	[smem:$0x3FBE] =	sst s2  }
0x8f: {  	_ = 	snop  }
0x90: {  	s2 =	sld [smem:$0x3FD0];
	_ =	sdelay $0x2  }
0x91: {  	s15 =	simm.s32 $0xA;
	s4 =	simm.s32 $0x10  }
0x92: {  	[smem:s4], [sflag:s15] =	dma.local [hbm:s2], $0x1  }
0x93: {  	_ =	swait.eq [sflag:s15], $0x1  }
0x94: {  	[sflag:s15] =	ssyncset.done $0x0  }
0x95: {  	s16 =	sld [smem:$0x10];
	[sflag:s15] =	ssyncadd.s32 $0xFFFFFFFF  }
0x96: {  	s17 =	sld [smem:$0x11];
	(tm) =	ssettm $0x1  }
0x97: {  	s18 =	sld [smem:$0x3FFB];
	_ =	sdelay $0x3  }
0x98: {  	_ =	strace s18  }
0x99: {  	s4 =	sld [smem:$0x3FFC];
	_ =	sdelay $0x3  }
0x9a: {  	_ =	strace s4  }
0x9b: {  	s4 =	sld [smem:$0x3FFD];
	_ =	sdelay $0x3  }
0x9c: {  	_ =	strace s4  }
0x9d: {  	_ =	strace $0x8FFFFFFF  }
0x9e: {  	s19 =	sld [smem:$0x3FDB];
	_ =	sdelay $0x1  }
0x9f: {  	s5 =	simm.s32 $_scs_section_size  }
0xa0: {  	s6 =	simm.s32 $_size__tile_overlayer_lowered;
	s7 =	simm.s32 $_tile_overlayer_lowered  }
0xa1: {  	s22 =	simm.s32 $0x1BFF;
	s21 =	sshll.u32 s7, $0x1;
	s4 =	sadd.s32 s5, s19  }
0xa2: {  	s8 =	simm.s32 $0x0;
	s20 =	sshll.u32 s6, $0x1;
	s6 =	sadd.s32 s21, s4  }
0xa3: {  	[timem:s8], [sflag:s22] =	dma.local [hbm:s6], s20  }
0xa4: {  	_ =	swait.ge [sflag:s22], s20  }
0xa5: {  	s5 =	ssub.s32 $0x0, s20;
	[sflag:s22] =	ssyncset.done $0x0  }
0xa6: {  	[sflag:s22] =	ssyncadd.s32 s5;
	_ =	sdelay $0x1  }
0xa7: {  	s23 =	simm.s32 $0x1B8B  }
0xa8: {  	_ =	swait.ge [sflag:s23], $0x1  }
0xa9: {  	[sflag:s23] =	ssyncset.done $0x0  }
0xaa: {  	s25 =	simm.s32 $0x1B8E;
	s24 =	sld [smem:$0x3FFE];
	[sflag:s23] =	ssyncadd.s32 $0xFFFFFFFF  }
0xab: {  	s26 =	simm.s32 $execute0_lowered;
	[smem:$0x3FD2] =	sst s25  }
0xac: {  	s6 =	sshll.u32 s26, $0x1;
	_ =	strace $0x80000046;
	[dreg:$0x1] =	wrdreg $0xFFFFFFFF  }
0xad: {  	s28 =	simm.s32 $_size_execute0_lowered;
	s4 =	sadd.s32 s4, s6;
	[dreg:$0x0] =	wrdreg $0x0  }
0xae: {  	s6 =	sshll.u32 s28, $0x1;
	[dreg:$0x2] =	wrdreg s4  }
0xaf: {  	[dreg:$0x3] =	wrdreg s6  }
0xb0: {  	[dreg:$0x4] =	wrdreg $0xC0  }
0xb1: {  	_ =	task [dreg:s8], $0x5FFFF  }
0xb2: {  	[dreg:$0x1] =	wrdreg $0xFFFFFFFF  }
0xb3: {  	[dreg:$0x0] =	wrdreg $0x60  }
0xb4: {  	[dreg:$0x2] =	wrdreg s24  }
0xb5: {  	[dreg:$0x3] =	wrdreg s16  }
0xb6: {  	[dreg:$0x4] =	wrdreg s17  }
0xb7: {  	[dreg:$0x5] =	wrdreg $0x28800  }
0xb8: {  	[dreg:$0x6] =	wrdreg $0x9  }
0xb9: {  	_ =	task.clear_ibuf [dreg:s8], $0x7FFFF;
	_ =	strace $0x90000046  }
0xba: {  	s29 =	simm.s32 $0x9;
	_ =	strace $0x80000048  }
0xbb: {  	_ =	swait.ge [sflag:s29], $0x1  }
0xbc: {  	[sflag:s29] =	ssyncadd.s32 $0xFFFFFFFF  }
0xbd: {  	_ =	strace $0x90000048  }
0xbe: {  	_ =	sfence  }
0xbf: {  	s30 =	sld [smem:$0x0];
	_ =	sdelay $0x2  }
0xc0: {  	s31 =	sshll.u32 s1, $0xD;
	s1 =	sshrl.u32 s1, $0x2  }
0xc1: {  	s3 =	sand.u32 $0x4000, s31;
	s1 =	sadd.s32 s1, s30  }
0xc2: {  	s0 =	sor.u32 s3, s0;
	s1 =	sshll.u32 s1, $0x11  }
0xc3: {  	s0 =	sor.u32 s1, s0  }
0xc4: {  	s0 =	sadd.s32 $0x8F2B, s0  }
0xc5: {  	[sflag:s0] =	ssyncadd.remote.s32 $0x1  }
0xc6: {  	_ =	sfence.sel $0xFFFF  }
0xc7: {  	[dreg:$0x0] =	wrdreg $0xFFFFFFFF;
	(pc) =	sbr.abs _section_cstart, $3  }
0xc8: {  	[dreg:$0x1] =	wrdreg $0xFFFFFFFF  }
0xc9: {  	_ =	task.clear_ibuf [dreg:s8], $0x2FFFF;
	_ =	strace $0x9FFFFFFF  }
0xca: {  	(tm) =	ssettm $0x7FFFFFFF  }
0xcb: {  	_ =	shalt  }
tec
execute0_lowered:
.L_overlay_start_1:
0x0: {  	(tag) =	ssettag $0x1  }
0x1: {  	s4 =	rddreg [dreg:$0x0]  }
0x2: {  	s0 =	rddreg [dreg:$0x1]  }
0x3: {  	s1 =	srdreg.scid;
	s5 =	rddreg [dreg:$0x2]  }
0x4: {  	s2 =	rddreg [dreg:$0x3];
	s7 =	stileid.u32  }
0x5: {  	s3 =	simm.s32 $0x0;
	s10 =	simm.s32 $0x1;
	s11 =	simm.s32 $0x2  }
0x6: {  	s12 =	simm.s32 $0x2800;
	s6 =	sand.u32 $0x1, s1;
	s1 =	rddreg [dreg:$0x4]  }
0x7: {  	s13 =	simm.s32 $0x0;
	[smem:$0x7FF] =	sst s3;
	s8 =	sshll.u32 s6, $0x4  }
0x8: {  	s9 =	ssub.s32 $0x2, s6;
	s6 =	smul.u32 $0x4F0, s6;
	s8 =	sor.u32 s7, s8  }
0x9: {  	p0 =	sne.s32 s7, $0x0;
	_ =	strace $0x80000047;
	s8 =	smul.u32 $0x500, s8  }
0xa: {  	s31 =	sshrl.u32 s9, $0x1;
	s7 =	sshrl.u32 @!p0 s2, $0x3;
	s5 =	sadd.s32 s5, s6  }
0xb: {  	s4 =	sadd.s32 s8, s4;
	s8 =	ssub.s32 s9, s31;
	s9 =	simm.s32 $0x3  }
0xc: {  	v0 =	vimm.f32 $1.000000000e+00;
	s4 =	sadd.s32 $0x2400, s4;
	s6 =	smax.u32 s8, $0x1;
	s8 =	simm.s32 $0x80  }
.LBB2_1:
0xd: {  	s14 =	simm.s32 @!p0 $0x1C03  }
0xe: {  	[spmem:s7], [sflag:s14] =	dma.local @!p0 [hbm:s0], $0x4F0  }
0xf: {  	s14 =	simm.s32 @!p0 $0x3  }
0x10: {  	_ =	swait.ge @!p0 [sflag:s14], $0x4F0  }
0x11: {  	[sflag:s14] =	ssyncset.done @!p0 $0x0  }
0x12: {  	[sflag:s14] =	ssyncadd.s32 @!p0 $0xFFFFFB10  }
0x13: {  	[tilespmem:$0x0] =	vst v0  }
0x14: {  	[tilespmem:$0x10] =	vst v0  }
0x15: {  	[tilespmem:$0x20] =	vst v0  }
0x16: {  	[tilespmem:$0x30] =	vst v0  }
0x17: {  	[tilespmem:$0x40] =	vst v0  }
0x18: {  	[tilespmem:$0x50] =	vst v0  }
0x19: {  	[tilespmem:$0x60] =	vst v0  }
0x1a: {  	[tilespmem:$0x70] =	vst v0  }
0x1b: {  	[tilespmem:s8], [sflag:$0x3] =	stream.linear.gather [hbm4b:s4+s3], $0x2800, $0x38;
	[tilespmem:$0x2AF8] =	vst v63  }
0x1c: {  	_ =	swait.ge [sflag:s9], $0x2800  }
0x1d: {  	[sflag:s9] =	ssyncset.done $0x0  }
0x1e: {  	[sflag:s9] =	ssyncadd.s32 $0xFFFFD800  }
0x1f: {  	[bflag:$0x0] =	sbarrier.arrive $0xFFFF  }
0x20: {  	[spmem:s2] =	stream.indirect.scatter.add.f32 [tilespmem:s3], [sflag:$0x1], $0x1, s8, s8, $0xb8;
	[tilespmem:$0x2AF8] =	vst v63  }
0x21: {  	s30 =	simm.s32 $0x100  }
0x22: {  	[spmem:s2] =	stream.indirect.scatter.add.f32 [tilespmem:s3], [sflag:$0x2], $0x1, s30, s8, $0xb8;
	[tilespmem:$0x2AF8] =	vst v63  }
0x23: {  	_ =	swait.ge [sflag:s10], $0x80  }
0x24: {  	[sflag:s10] =	ssyncset.done $0x0  }
0x25: {  	s31 =	simm.s32 $0x180;
	[sflag:s10] =	ssyncadd.s32 $0xFFFFFF80  }
0x26: {  	[spmem:s2] =	stream.indirect.scatter.add.f32 [tilespmem:s3], [sflag:$0x1], $0x1, s31, s8, $0xb8;
	[tilespmem:$0x2AF8] =	vst v63  }
0x27: {  	_ =	swait.ge [sflag:s11], $0x80  }
0x28: {  	s15 =	simm.s32 $0xFFFF6C00;
	s14 =	simm.s32 $0xFFFFDA00;
	[sflag:s11] =	ssyncset.done $0x0  }
.LBB2_2:
0x29: {  	s16 =	sadd.s32 $0x2800, s14  }
0x2a: {  	[sflag:s11] =	ssyncadd.s32 $0xFFFFFF80;
	s17 =	smov.u32 s15;
	s18 =	sadd.s32 $0x400, s15  }
0x2b: {  	[spmem:s2] =	stream.indirect.scatter.add.f32 [tilespmem:s3], [sflag:$0x2], $0x1, s16, s8, $0xb8;
	[tilespmem:$0x2AF8] =	vst v63  }
0x2c: {  	p1 =	sne.s32 s15, $0xFFFFFC00;
	_ =	swait.ge [sflag:s10], $0x80  }
.Ltmp0:
0x2d: {  	[sflag:s10] =	ssyncset.done $0x0;
	(pc) =	sbr.rel @p1 .LBB2_2-.Ltmp0, $4  }
0x2e: {  	s14 =	sadd.s32 $0x2880, s14;
	[sflag:s10] =	ssyncadd.s32 $0xFFFFFF80  }
0x2f: {  	[spmem:s2] =	stream.indirect.scatter.add.f32 [tilespmem:s3], [sflag:$0x1], $0x1, s14, s8, $0xb8;
	[tilespmem:$0x2AF8] =	vst v63  }
0x30: {  	_ =	swait.ge [sflag:s11], $0x80  }
0x31: {  	s15 =	smov.u32 s18;
	s14 =	sshra.s32 s17, $0x2;
	[sflag:s11] =	ssyncset.done $0x0  }
0x32: {  	s15 =	sadd.s32 $0x2800, s14;
	[sflag:s11] =	ssyncadd.s32 $0xFFFFFF80  }
0x33: {  	[spmem:s2] =	stream.indirect.scatter.add.f32 [tilespmem:s3], [sflag:$0x2], $0x1, s15, s8, $0xb8;
	[tilespmem:$0x2AF8] =	vst v63  }
0x34: {  	_ =	swait.ge [sflag:s10], $0x80  }
0x35: {  	[sflag:s10] =	ssyncset.done $0x0  }
0x36: {  	s31 =	sadd.s32 $0x2880, s14;
	[sflag:s10] =	ssyncadd.s32 $0xFFFFFF80  }
0x37: {  	[spmem:s2] =	stream.indirect.scatter.add.f32 [tilespmem:s3], [sflag:$0x1], $0x1, s31, s8, $0xb8;
	[tilespmem:$0x2AF8] =	vst v63  }
0x38: {  	_ =	swait.ge [sflag:s11], $0x80  }
0x39: {  	[sflag:s11] =	ssyncset.done $0x0  }
0x3a: {  	[sflag:s11] =	ssyncadd.s32 $0xFFFFFF80  }
0x3b: {  	[spmem:s2] =	stream.indirect.scatter.add.f32 [tilespmem:s3], [sflag:$0x2], $0x1, s12, s8, $0xb8;
	[tilespmem:$0x2AF8] =	vst v63  }
0x3c: {  	_ =	swait.ge [sflag:s10], $0x80  }
0x3d: {  	[sflag:s10] =	ssyncset.done $0x0  }
0x3e: {  	[sflag:s10] =	ssyncadd.s32 $0xFFFFFF80  }
0x3f: {  	_ =	swait.ge [sflag:s11], $0x80  }
0x40: {  	[sflag:s11] =	ssyncset.done $0x0  }
0x41: {  	s13 =	sadd.s32 $0x1, s13;
	[sflag:s11] =	ssyncadd.s32 $0xFFFFFF80  }
0x42: {  	s14 =	simm.s32 @!p0 $0x1C03;
	p1 =	sne.s32 s13, s6;
	[bflag:$0x0] =	sbarrier.arrive $0xFFFF  }
0x43: {  	[hbm:s5], [sflag:s14] =	dma.local @!p0 [spmem:s7], $0x4F0  }
.Ltmp1:
0x44: {  	_ = 	snop;
	(pc) =	sbr.rel @p1 .LBB2_1-.Ltmp1, $4  }
0x45: {  	s14 =	simm.s32 @!p0 $0x3  }
0x46: {  	_ =	swait.ge @!p0 [sflag:s14], $0x4F0  }
0x47: {  	[sflag:s14] =	ssyncset.done @!p0 $0x0  }
0x48: {  	[sflag:s14] =	ssyncadd.s32 @!p0 $0xFFFFFB10  }
0x49: {  	_ =	sfence.sel $0x180000  }
0x4a: {  	[bflag:$0x0] =	sbarrier.arrive $0xFFFF  }
0x4b: {  	_ =	strace $0x90000047  }
0x4c: {  	s0 =	sadd.s32 @!p0 $0x100000, s1;
	[bflag:$0x2] =	sbarrier.arrive $0xFFFF  }
0x4d: {  	[sflag:s0] =	ssyncadd.tile.s32 @!p0 $0x1;
	_ =	shalt  }
.Lfunc_end2:
_tile_overlayer_lowered:
.L_overlay_start_2:
0x4e: {  	(tag) =	ssettag $0x2  }
0x4f: {  	s0 =	rddreg [dreg:$0x0];
	s2 =	stileid.u32  }
0x50: {  	s1 =	rddreg [dreg:$0x1];
	p0 =	sne.s32 s2, $0x0  }
0x51: {  	s3 =	rddreg [dreg:$0x2];
	[bflag:$0x3] =	sbarrier.arrive $0xFFFF;
	s2 =	simm.s32 @!p0 $0x1C03  }
0x52: {  	[timem:s3], [sflag:s2] =	dma.local @!p0 [hbm:s0], s1  }
0x53: {  	s0 =	simm.s32 @!p0 $0x3  }
0x54: {  	_ =	swait.ge @!p0 [sflag:s0], s1  }
0x55: {  	s1 =	ssub.s32 @!p0 $0x0, s1;
	[sflag:s0] =	ssyncset.done @!p0 $0x0  }
0x56: {  	[sflag:s0] =	ssyncadd.s32 @!p0 s1  }
0x57: {  	[bflag:$0x3] =	sbarrier.arrive $0xFFFF  }
0x58: {  	_ =	shalt  }

// kernel: kernel.13.cloned.1.call-start
scs
__scs_entry_jumppad:
0x0: {  	(pc) =	sbr.rel $0x88, $3  }
0x1: {  	(tag) =	ssettag $0x0;
	lr =	simm.s32 $0x1  }
0x2: {  	[smem:$0x3F97] =	sst lr;
	_ =	strace $0xD0000000  }
0x3: {  	_ = 	snop  }
0x4: {  	_ = 	snop  }
0x5: {  	_ = 	snop  }
0x6: {  	_ = 	snop  }
0x7: {  	_ = 	snop  }
__scs_overlays_trampoline_lowered:
0x8: {  	[smem:$0x3FA6] =	sst s0  }
0x9: {  	[smem:$0x3FA7] =	sst s1  }
0xa: {  	[smem:$0x3FA8] =	sst s2  }
0xb: {  	[smem:$0x3FA9] =	sst s3  }
0xc: {  	[smem:$0x3FAA] =	sst s4  }
0xd: {  	[smem:$0x3FAB] =	sst s5  }
0xe: {  	[smem:$0x3FAC] =	sst s6  }
0xf: {  	[smem:$0x3FAD] =	sst s7  }
0x10: {  	[smem:$0x3FAE] =	sst s8  }
0x11: {  	[smem:$0x3FAF] =	sst s9;
	s0 =	simm.s32 @!p0 $0x0  }
0x12: {  	s1 =	sld [smem:$0x3F95];
	s0 =	simm.s32 @p0 $0x1  }
0x13: {  	[smem:$0x3FB0] =	sst s0;
	s0 =	simm.s32 @!p1 $0x0  }
0x14: {  	s2 =	sld [smem:$0x3F94];
	s0 =	simm.s32 @p1 $0x1  }
0x15: {  	[smem:$0x3FB1] =	sst s0;
	s0 =	simm.s32 @!p2 $0x0  }
0x16: {  	s3 =	sld [smem:$0x3FDB];
	s0 =	simm.s32 @p2 $0x1  }
0x17: {  	s4 =	simm.s32 $0x1BF5;
	[smem:$0x3FB3] =	sst s0  }
0x18: {  	s0 =	sld [smem:$0x3F96];
	_ =	swait.ge [sflag:s4], $0x0  }
0x19: {  	s7 =	sld [smem:$0x3F97]  }
0x1a: {  	s8 =	sadd.s32 $0xFFFFE003, lr  }
0x1b: {  	s9 =	sadd.s32 $0xFFFFFEF7, lr;
	s5 =	simm.s32 $0xFFFFFFFF;
	p2 =	slt.u32 s8, $0xFFFFF086  }
0x1c: {  	p1 =	slt.u32 s9, $0xF7A;
	s5 =	simm.s32 @!p2 $0x0  }
0x1d: {  	s5 =	simm.s32 @p1 $0x1;
	p0 =	seq.s32 s7, s2  }
0x1e: {  	s7 =	smul.u32 @!p0 $0xF7A, s2;
	p2 =	seq.s32 @!p0 s5, $0x0  }
0x1f: {  	s9 =	smul.u32 $0xF7A, s1;
	s8 =	simm.s32 @!p0 $0x1BF5;
	p2 =	por !p2, p0  }
0x20: {  	[sflag:s8] =	ssyncset.s32 @!p0 $0xFFFFF086;
	s6 =	sadd.s32 @!p0 s3, s7;
	s7 =	simm.s32 @!p0 $0x108  }
0x21: {  	s3 =	sadd.s32 s3, s9;
	s6 =	sadd.s32 @!p0 $0x88, s6;
	s7 =	simm.s32 @p2 $0x1082  }
0x22: {  	[simem:s7], [sflag:s8] =	dma.local @!p0 [hbm:s6], $0xF7A  }
0x23: {  	s9 =	sor.u32 $0xD0000000, s2;
	s6 =	simm.s32 $0x108;
	_ =	swait.ge @!p0 [sflag:s8], $0x0  }
0x24: {  	s3 =	sadd.s32 $0x88, s3;
	s6 =	simm.s32 @!p1 $0x1082;
	[sflag:s4] =	ssyncset.s32 $0xFFFFF086  }
0x25: {  	[simem:s6], [sflag:s4] =	dma.local [hbm:s3], $0xF7A  }
0x26: {  	[smem:$0x3F97] =	sst s1;
	(tag) =	ssettag s2;
	_ =	strace s9  }
0x27: {  	s1 =	sld [smem:$0x3FA7]  }
0x28: {  	s2 =	sld [smem:$0x3FA8]  }
0x29: {  	s4 =	sld [smem:$0x3FAA]  }
0x2a: {  	p0 =	seq.s32 s5, $0x0;
	s5 =	sld [smem:$0x3FAB]  }
0x2b: {  	s6 =	sld [smem:$0x3FAC]  }
0x2c: {  	s7 =	sld [smem:$0x3FAD]  }
0x2d: {  	s3 =	simm.s32 $0x108;
	s8 =	sld [smem:$0x3FAE]  }
0x2e: {  	s3 =	simm.s32 @!p0 $0x1082;
	s9 =	sld [smem:$0x3FAF]  }
0x2f: {  	lr =	sadd.s32 s0, s3;
	s0 =	sld [smem:$0x3FA6]  }
0x30: {  	s3 =	sld [smem:$0x3FA9]  }
0x31: {  	[smem:$0x3FB2] =	sst s10  }
0x32: {  	s10 =	sld [smem:$0x3FB0];
	_ =	sdelay $0x3  }
0x33: {  	p0 =	seq.s32 s10, $0x1;
	s10 =	sld [smem:$0x3FB2];
	_ =	sdelay $0x3  }
0x34: {  	[smem:$0x3FB2] =	sst s10  }
0x35: {  	s10 =	sld [smem:$0x3FB1];
	_ =	sdelay $0x3  }
0x36: {  	p1 =	seq.s32 s10, $0x1;
	s10 =	sld [smem:$0x3FB2];
	_ =	sdelay $0x3  }
0x37: {  	[smem:$0x3FB2] =	sst s10  }
0x38: {  	s10 =	sld [smem:$0x3FB3]  }
0x39: {  	_ = 	snop;
	(pc) =	sbr.ind lr, $3  }
0x3a: {  	_ = 	snop  }
0x3b: {  	_ = 	snop  }
0x3c: {  	p2 =	seq.s32 s10, $0x1;
	s10 =	sld [smem:$0x3FB2]  }
0x3d: {  	_ =	shalt  }
0x3e: {  	_ =	shalt  }
0x3f: {  	_ =	shalt  }
0x40: {  	_ =	shalt  }
0x41: {  	_ =	shalt  }
0x42: {  	_ =	shalt  }
0x43: {  	_ =	shalt  }
0x44: {  	_ =	shalt  }
0x45: {  	_ =	shalt  }
0x46: {  	_ =	shalt  }
0x47: {  	_ =	shalt  }
0x48: {  	_ =	shalt  }
0x49: {  	_ =	shalt  }
0x4a: {  	_ =	shalt  }
0x4b: {  	_ =	shalt  }
0x4c: {  	_ =	shalt  }
0x4d: {  	_ =	shalt  }
0x4e: {  	_ =	shalt  }
0x4f: {  	_ =	shalt  }
0x50: {  	_ =	shalt  }
0x51: {  	_ =	shalt  }
0x52: {  	_ =	shalt  }
0x53: {  	_ =	shalt  }
0x54: {  	_ =	shalt  }
0x55: {  	_ =	shalt  }
0x56: {  	_ =	shalt  }
0x57: {  	_ =	shalt  }
0x58: {  	_ =	shalt  }
0x59: {  	_ =	shalt  }
0x5a: {  	_ =	shalt  }
0x5b: {  	_ =	shalt  }
0x5c: {  	_ =	shalt  }
0x5d: {  	_ =	shalt  }
0x5e: {  	_ =	shalt  }
0x5f: {  	_ =	shalt  }
0x60: {  	_ =	shalt  }
0x61: {  	_ =	shalt  }
0x62: {  	_ =	shalt  }
0x63: {  	_ =	shalt  }
0x64: {  	_ =	shalt  }
0x65: {  	_ =	shalt  }
0x66: {  	_ =	shalt  }
0x67: {  	_ =	shalt  }
0x68: {  	_ =	shalt  }
0x69: {  	_ =	shalt  }
0x6a: {  	_ =	shalt  }
0x6b: {  	_ =	shalt  }
0x6c: {  	_ =	shalt  }
0x6d: {  	_ =	shalt  }
0x6e: {  	_ =	shalt  }
0x6f: {  	_ =	shalt  }
0x70: {  	_ =	shalt  }
0x71: {  	_ =	shalt  }
0x72: {  	_ =	shalt  }
0x73: {  	_ =	shalt  }
0x74: {  	_ =	shalt  }
0x75: {  	_ =	shalt  }
0x76: {  	_ =	shalt  }
0x77: {  	_ =	shalt  }
0x78: {  	_ =	shalt  }
0x79: {  	_ =	shalt  }
0x7a: {  	_ =	shalt  }
0x7b: {  	_ =	shalt  }
0x7c: {  	_ =	shalt  }
0x7d: {  	_ =	shalt  }
0x7e: {  	_ =	shalt  }
0x7f: {  	_ =	shalt  }
0x80: {  	_ =	shalt  }
0x81: {  	_ =	shalt  }
0x82: {  	_ =	shalt  }
0x83: {  	_ =	shalt  }
0x84: {  	_ =	shalt  }
0x85: {  	_ =	shalt  }
0x86: {  	_ =	shalt  }
0x87: {  	_ =	shalt  }
.Lfunc_end0:
.L_simem_size_0:
called_computation.1_lowered:
.L_overlay_start_0:
0x88: {  	s2 =	sld [smem:$0x3FD9]  }
0x89: {  	s3 =	sld [smem:$0x3FFE];
	_ =	sdelay $0x1  }
0x8a: {  	s1 =	srdreg.scid  }
0x8b: {  	s0 =	sand.u32 $0x1, s1  }
0x8c: {  	s16 =	sshll.u32 s0, $0xA;
	s2 =	sadd.s32 s3, s2  }
0x8d: {  	s2 =	sadd.s32 s2, s16  }
0x8e: {  	[smem:$0x3FBE] =	sst s2  }
0x8f: {  	_ = 	snop  }
0x90: {  	(tm) =	ssettm $0x1  }
0x91: {  	s17 =	sld [smem:$0x3FFB];
	_ =	sdelay $0x3  }
0x92: {  	_ =	strace s17  }
0x93: {  	s2 =	sld [smem:$0x3FFC];
	_ =	sdelay $0x3  }
0x94: {  	_ =	strace s2  }
0x95: {  	s2 =	sld [smem:$0x3FFD];
	_ =	sdelay $0x3  }
0x96: {  	_ =	strace s2  }
0x97: {  	_ =	strace $0x8FFFFFFF  }
0x98: {  	s18 =	sld [smem:$0x3FDB];
	_ =	sdelay $0x1  }
0x99: {  	s19 =	simm.s32 $_scs_section_size  }
0x9a: {  	s4 =	simm.s32 $_size__tile_overlayer_lowered;
	s5 =	simm.s32 $_tile_overlayer_lowered  }
0x9b: {  	s22 =	simm.s32 $0x1BFF;
	s21 =	sshll.u32 s5, $0x1;
	s2 =	sadd.s32 s19, s18  }
0x9c: {  	s6 =	simm.s32 $0x0;
	s20 =	sshll.u32 s4, $0x1;
	s4 =	sadd.s32 s21, s2  }
0x9d: {  	[timem:s6], [sflag:s22] =	dma.local [hbm:s4], s20  }
0x9e: {  	_ =	swait.ge [sflag:s22], s20  }
0x9f: {  	s3 =	ssub.s32 $0x0, s20;
	[sflag:s22] =	ssyncset.done $0x0  }
0xa0: {  	[sflag:s22] =	ssyncadd.s32 s3;
	_ =	sdelay $0x1  }
0xa1: {  	s23 =	simm.s32 $0x1B8B  }
0xa2: {  	_ =	swait.ge [sflag:s23], $0x1  }
0xa3: {  	[sflag:s23] =	ssyncset.done $0x0  }
0xa4: {  	s25 =	simm.s32 $0x1B8E;
	s24 =	sld [smem:$0x3FFE];
	[sflag:s23] =	ssyncadd.s32 $0xFFFFFFFF  }
0xa5: {  	s26 =	simm.s32 $execute0_lowered;
	[smem:$0x3FD2] =	sst s25  }
0xa6: {  	s4 =	sshll.u32 s26, $0x1;
	_ =	strace $0x80000049;
	[dreg:$0x1] =	wrdreg $0xFFFFFFFF  }
0xa7: {  	s28 =	simm.s32 $_size_execute0_lowered;
	s2 =	sadd.s32 s2, s4;
	[dreg:$0x0] =	wrdreg $0x0  }
0xa8: {  	s4 =	sshll.u32 s28, $0x1;
	[dreg:$0x2] =	wrdreg s2  }
0xa9: {  	[dreg:$0x3] =	wrdreg s4  }
0xaa: {  	[dreg:$0x4] =	wrdreg $0xC0  }
0xab: {  	_ =	task [dreg:s6], $0x5FFFF  }
0xac: {  	[dreg:$0x1] =	wrdreg $0xFFFFFFFF  }
0xad: {  	[dreg:$0x0] =	wrdreg $0x60  }
0xae: {  	[dreg:$0x2] =	wrdreg s24  }
0xaf: {  	[dreg:$0x3] =	wrdreg $0x90000  }
0xb0: {  	[dreg:$0x4] =	wrdreg $0x9  }
0xb1: {  	_ =	task.clear_ibuf [dreg:s6], $0x5FFFF;
	_ =	strace $0x90000049  }
0xb2: {  	s29 =	simm.s32 $0x9;
	_ =	strace $0x8000004B  }
0xb3: {  	_ =	swait.ge [sflag:s29], $0x1  }
0xb4: {  	[sflag:s29] =	ssyncadd.s32 $0xFFFFFFFF  }
0xb5: {  	_ =	strace $0x9000004B  }
0xb6: {  	_ =	sfence  }
0xb7: {  	s30 =	sld [smem:$0x0];
	_ =	sdelay $0x2  }
0xb8: {  	s31 =	sshll.u32 s1, $0xD;
	s1 =	sshrl.u32 s1, $0x2  }
0xb9: {  	s3 =	sand.u32 $0x4000, s31;
	s1 =	sadd.s32 s1, s30  }
0xba: {  	s0 =	sor.u32 s3, s0;
	s1 =	sshll.u32 s1, $0x11  }
0xbb: {  	s0 =	sor.u32 s1, s0  }
0xbc: {  	s0 =	sadd.s32 $0x8F2B, s0  }
0xbd: {  	[sflag:s0] =	ssyncadd.remote.s32 $0x1  }
0xbe: {  	_ =	sfence.sel $0xFFFF  }
0xbf: {  	[dreg:$0x0] =	wrdreg $0xFFFFFFFF;
	(pc) =	sbr.abs _section_cstart, $3  }
0xc0: {  	[dreg:$0x1] =	wrdreg $0xFFFFFFFF  }
0xc1: {  	_ =	task.clear_ibuf [dreg:s6], $0x2FFFF;
	_ =	strace $0x9FFFFFFF  }
0xc2: {  	(tm) =	ssettm $0x7FFFFFFF  }
0xc3: {  	_ =	shalt  }
tec
execute0_lowered:
.L_overlay_start_1:
0x0: {  	(tag) =	ssettag $0x1  }
0x1: {  	s0 =	srdreg.scid;
	s6 =	rddreg [dreg:$0x0]  }
0x2: {  	s22 =	stileid.u32;
	s1 =	rddreg [dreg:$0x1]  }
0x3: {  	s2 =	simm.s32 $0x0;
	s12 =	simm.s32 $0x5;
	s13 =	simm.s32 $0x2800  }
0x4: {  	s14 =	simm.s32 $0x80;
	s15 =	simm.s32 $0x5000;
	s16 =	simm.s32 $0x1  }
0x5: {  	s17 =	simm.s32 $0x7000;
	s18 =	simm.s32 $0x2;
	s19 =	simm.s32 $0x2880  }
0x6: {  	s20 =	simm.s32 $0x3;
	s21 =	simm.s32 $0x100;
	s24 =	simm.s32 $0x0  }
0x7: {  	s5 =	sand.u32 $0x1, s0;
	[smem:$0x7FF] =	sst s2;
	s4 =	sadd.s32 $0x29E00, s6  }
0x8: {  	p0 =	seq.s32 s22, $0x0;
	p2 =	sne.s32 s22, $0x0;
	s0 =	sshll.u32 s5, $0x4  }
0x9: {  	s8 =	smul.u32 $0x13880, s5;
	s30 =	ssub.s32 $0x2, s5;
	p1 =	seq.s32 s5, $0x1  }
0xa: {  	s31 =	sor.u32 s5, s22;
	s23 =	sshrl.u32 @!p2 s1, $0x3;
	s3 =	sor.u32 s22, s0  }
0xb: {  	s0 =	rddreg [dreg:$0x2];
	_ =	strace $0x8000004A;
	s9 =	sshrl.u32 s30, $0x1  }
0xc: {  	p0 =	por !p0, !p1;
	p1 =	sne.s32 s31, $0x0;
	s7 =	smul.u32 $0x500, s3  }
.Ltmp0:
0xd: {  	s3 =	sadd.s32 $0x16400, s6;
	s8 =	sadd.s32 s8, s6;
	(pc) =	sbr.rel .LBB2_1-.Ltmp0, $4  }
0xe: {  	s9 =	ssub.s32 s30, s9;
	p0 =	por !p0, !p0;
	s10 =	sshll.u32 @!p1 s22, $0x6  }
0xf: {  	s22 =	simm.s32 $0x4;
	s11 =	sshrl.u32 @p0 s1, $0x3;
	s7 =	sadd.s32 s7, s6  }
0x10: {  	s5 =	sadd.s32 $0xC400, s7;
	s6 =	sadd.s32 $0x2400, s7;
	s7 =	sadd.s32 $0x3D800, s8  }
0x11: {  	s8 =	smax.u32 s9, $0x1;
	s9 =	sor.u32 @!p1 $0x1C05, s10;
	s10 =	sshrl.u32 @!p1 s1, $0x3  }
.LBB2_4:
0x12: {  	_ =	swait.ge [sflag:s22], $0x2000  }
0x13: {  	[sflag:s22] =	ssyncset.done $0x0  }
0x14: {  	s24 =	sadd.s32 $0x1, s24;
	[sflag:s22] =	ssyncadd.s32 $0xFFFFE000  }
0x15: {  	s25 =	simm.s32 @!p2 $0x1C05;
	p3 =	sne.s32 s24, s8;
	[bflag:$0x0] =	sbarrier.arrive $0xFFFF  }
0x16: {  	[hbm:s7], [sflag:s25] =	dma.local @!p2 [spmem:s23], $0x13880  }
.Ltmp1:
0x17: {  	_ = 	snop;
	(pc) =	sbr.rel @!p3 .LBB2_5-.Ltmp1, $4  }
0x18: {  	s25 =	simm.s32 @!p2 $0x5  }
0x19: {  	_ =	swait.ge @!p2 [sflag:s25], $0x13880  }
0x1a: {  	[sflag:s25] =	ssyncset.done @!p2 $0x0  }
0x1b: {  	[sflag:s25] =	ssyncadd.s32 @!p2 $0xFFFEC780  }
.LBB2_1:
0x1c: {  	[spmem:s10], [sflag:s9] =	dma.local @!p1 [hbm:s3], $0x13880  }
0x1d: {  	s25 =	simm.s32 @!p1 $0x5  }
0x1e: {  	_ =	swait.ge @!p1 [sflag:s25], $0x13880  }
0x1f: {  	[sflag:s25] =	ssyncset.done @!p1 $0x0  }
0x20: {  	[sflag:s25] =	ssyncadd.s32 @!p1 $0xFFFEC780;
	s25 =	simm.s32 @p0 $0x1C05  }
0x21: {  	[spmem:s11], [sflag:s25] =	dma.local @p0 [hbm:s4], $0x13880  }
0x22: {  	s25 =	simm.s32 @p0 $0x5  }
0x23: {  	_ =	swait.ge @p0 [sflag:s25], $0x13880  }
0x24: {  	[sflag:s25] =	ssyncset.done @p0 $0x0  }
0x25: {  	[sflag:s25] =	ssyncadd.s32 @p0 $0xFFFEC780  }
0x26: {  	[tilespmem:s2], [sflag:$0x5] =	stream.linear.gather [hbm4b:s5+s2], $0x2800, $0x38;
	[tilespmem:$0x12C80] =	vst v63  }
0x27: {  	_ =	swait.ge [sflag:s12], $0x2800  }
0x28: {  	[sflag:s12] =	ssyncset.done $0x0  }
0x29: {  	[sflag:s12] =	ssyncadd.s32 $0xFFFFD800  }
0x2a: {  	[tilespmem:s13], [sflag:$0x5] =	stream.linear.gather [hbm4b:s6+s2], $0x2800, $0x38;
	[tilespmem:$0x12C80] =	vst v63  }
0x2b: {  	_ =	swait.ge [sflag:s12], $0x2800  }
0x2c: {  	[sflag:s12] =	ssyncset.done $0x0  }
0x2d: {  	[sflag:s12] =	ssyncadd.s32 $0xFFFFD800  }
0x2e: {  	[bflag:$0x0] =	sbarrier.arrive $0xFFFF  }
0x2f: {  	[tilespmem:s15], [sflag:$0x1] =	stream.indirect.gather [hbm4b:s3+s14], $0x40, s2, s14, $0xb8;
	[tilespmem:$0x12C80] =	vst v63  }
0x30: {  	_ =	swait.ge [sflag:s16], $0x2000  }
0x31: {  	[sflag:s16] =	ssyncset.done $0x0  }
0x32: {  	[sflag:s16] =	ssyncadd.s32 $0xFFFFE000  }
0x33: {  	[spmem:s1] =	stream.indirect.scatter.add.f32 [tilespmem:s15], [sflag:$0x3], $0x40, s13, s14, $0xb8;
	[tilespmem:$0x12C80] =	vst v63  }
0x34: {  	_ = 	snop  }
0x35: {  	[tilespmem:s17], [sflag:$0x2] =	stream.indirect.gather [hbm4b:s3+s14], $0x40, s14, s14, $0xb8;
	[tilespmem:$0x12C80] =	vst v63  }
0x36: {  	_ =	swait.ge [sflag:s18], $0x2000  }
0x37: {  	[sflag:s18] =	ssyncset.done $0x0  }
0x38: {  	[sflag:s18] =	ssyncadd.s32 $0xFFFFE000  }
0x39: {  	[spmem:s1] =	stream.indirect.scatter.add.f32 [tilespmem:s17], [sflag:$0x4], $0x40, s19, s14, $0xb8;
	[tilespmem:$0x12C80] =	vst v63  }
0x3a: {  	_ =	swait.ge [sflag:s20], $0x2000  }
0x3b: {  	[sflag:s20] =	ssyncset.done $0x0  }
0x3c: {  	s25 =	simm.s32 $0xFFFF6800;
	[sflag:s20] =	ssyncadd.s32 $0xFFFFE000  }
0x3d: {  	[tilespmem:s15], [sflag:$0x1] =	stream.indirect.gather [hbm4b:s3+s14], $0x40, s21, s14, $0xb8;
	[tilespmem:$0x12C80] =	vst v63  }
.LBB2_2:
0x3e: {  	_ =	swait.ge [sflag:s16], $0x2000  }
0x3f: {  	s26 =	sshra.s32 s25, $0x2;
	[sflag:s16] =	ssyncset.done $0x0  }
0x40: {  	s28 =	sadd.s32 $0x4F00, s26;
	[sflag:s16] =	ssyncadd.s32 $0xFFFFE000  }
0x41: {  	[spmem:s1] =	stream.indirect.scatter.add.f32 [tilespmem:s15], [sflag:$0x3], $0x40, s28, s14, $0xb8;
	[tilespmem:$0x12C80] =	vst v63  }
0x42: {  	_ =	swait.ge [sflag:s22], $0x2000  }
0x43: {  	[sflag:s22] =	ssyncset.done $0x0  }
0x44: {  	s30 =	sadd.s32 $0x2780, s26;
	[sflag:s22] =	ssyncadd.s32 $0xFFFFE000  }
0x45: {  	[tilespmem:s17], [sflag:$0x2] =	stream.indirect.gather [hbm4b:s3+s14], $0x40, s30, s14, $0xb8;
	[tilespmem:$0x12C80] =	vst v63  }
0x46: {  	_ =	swait.ge [sflag:s18], $0x2000  }
0x47: {  	p3 =	seq.s32 s25, $0x0;
	[sflag:s18] =	ssyncset.done $0x0  }
.Ltmp2:
0x48: {  	s31 =	sadd.s32 $0x4F80, s26;
	[sflag:s18] =	ssyncadd.s32 $0xFFFFE000;
	(pc) =	sbr.rel @p3 .LBB2_4-.Ltmp2, $4  }
0x49: {  	[spmem:s1] =	stream.indirect.scatter.add.f32 [tilespmem:s17], [sflag:$0x4], $0x40, s31, s14, $0xb8;
	[tilespmem:$0x12C80] =	vst v63  }
0x4a: {  	_ =	swait.ge [sflag:s20], $0x2000  }
0x4b: {  	[sflag:s20] =	ssyncset.done $0x0  }
0x4c: {  	[sflag:s20] =	ssyncadd.s32 $0xFFFFE000  }
.Ltmp3:
0x4d: {  	(pc) =	sbr.rel .LBB2_2-.Ltmp3, $3  }
0x4e: {  	_ =	sdelay $0x1  }
0x4f: {  	s26 =	sadd.s32 $0x2800, s26;
	s25 =	sadd.s32 $0x400, s25  }
0x50: {  	[tilespmem:s15], [sflag:$0x1] =	stream.indirect.gather [hbm4b:s3+s14], $0x40, s26, s14, $0xb8;
	[tilespmem:$0x12C80] =	vst v63  }
.LBB2_5:
0x51: {  	_ =	sfence.sel $0x180000  }
0x52: {  	[bflag:$0x0] =	sbarrier.arrive $0xFFFF  }
0x53: {  	_ =	strace $0x9000004A  }
0x54: {  	s0 =	sadd.s32 @!p2 $0x100000, s0;
	[bflag:$0x2] =	sbarrier.arrive $0xFFFF  }
0x55: {  	[sflag:s0] =	ssyncadd.tile.s32 @!p2 $0x1;
	_ =	shalt  }
.Lfunc_end2:
_tile_overlayer_lowered:
.L_overlay_start_2:
0x56: {  	(tag) =	ssettag $0x2  }
0x57: {  	s0 =	rddreg [dreg:$0x0];
	s2 =	stileid.u32  }
0x58: {  	s1 =	rddreg [dreg:$0x1];
	p0 =	sne.s32 s2, $0x0  }
0x59: {  	s3 =	rddreg [dreg:$0x2];
	[bflag:$0x3] =	sbarrier.arrive $0xFFFF;
	s2 =	simm.s32 @!p0 $0x1C05  }
0x5a: {  	[timem:s3], [sflag:s2] =	dma.local @!p0 [hbm:s0], s1  }
0x5b: {  	s0 =	simm.s32 @!p0 $0x5  }
0x5c: {  	_ =	swait.ge @!p0 [sflag:s0], s1  }
0x5d: {  	s1 =	ssub.s32 @!p0 $0x0, s1;
	[sflag:s0] =	ssyncset.done @!p0 $0x0  }
0x5e: {  	[sflag:s0] =	ssyncadd.s32 @!p0 s1  }
0x5f: {  	[bflag:$0x3] =	sbarrier.arrive $0xFFFF  }
0x60: {  	_ =	shalt  }

// kernel: kernel.16.cloned.1.call-start
scs
__scs_entry_jumppad:
0x0: {  	(pc) =	sbr.rel $0x88, $3  }
0x1: {  	(tag) =	ssettag $0x0;
	lr =	simm.s32 $0x1  }
0x2: {  	[smem:$0x3F97] =	sst lr;
	_ =	strace $0xD0000000  }
0x3: {  	_ = 	snop  }
0x4: {  	_ = 	snop  }
0x5: {  	_ = 	snop  }
0x6: {  	_ = 	snop  }
0x7: {  	_ = 	snop  }
__scs_overlays_trampoline_lowered:
0x8: {  	[smem:$0x3FA6] =	sst s0  }
0x9: {  	[smem:$0x3FA7] =	sst s1  }
0xa: {  	[smem:$0x3FA8] =	sst s2  }
0xb: {  	[smem:$0x3FA9] =	sst s3  }
0xc: {  	[smem:$0x3FAA] =	sst s4  }
0xd: {  	[smem:$0x3FAB] =	sst s5  }
0xe: {  	[smem:$0x3FAC] =	sst s6  }
0xf: {  	[smem:$0x3FAD] =	sst s7  }
0x10: {  	[smem:$0x3FAE] =	sst s8  }
0x11: {  	[smem:$0x3FAF] =	sst s9;
	s0 =	simm.s32 @!p0 $0x0  }
0x12: {  	s1 =	sld [smem:$0x3F95];
	s0 =	simm.s32 @p0 $0x1  }
0x13: {  	[smem:$0x3FB0] =	sst s0;
	s0 =	simm.s32 @!p1 $0x0  }
0x14: {  	s2 =	sld [smem:$0x3F94];
	s0 =	simm.s32 @p1 $0x1  }
0x15: {  	[smem:$0x3FB1] =	sst s0;
	s0 =	simm.s32 @!p2 $0x0  }
0x16: {  	s3 =	sld [smem:$0x3FDB];
	s0 =	simm.s32 @p2 $0x1  }
0x17: {  	s4 =	simm.s32 $0x1BF5;
	[smem:$0x3FB3] =	sst s0  }
0x18: {  	s0 =	sld [smem:$0x3F96];
	_ =	swait.ge [sflag:s4], $0x0  }
0x19: {  	s7 =	sld [smem:$0x3F97]  }
0x1a: {  	s8 =	sadd.s32 $0xFFFFE003, lr  }
0x1b: {  	s9 =	sadd.s32 $0xFFFFFEF7, lr;
	s5 =	simm.s32 $0xFFFFFFFF;
	p2 =	slt.u32 s8, $0xFFFFF086  }
0x1c: {  	p1 =	slt.u32 s9, $0xF7A;
	s5 =	simm.s32 @!p2 $0x0  }
0x1d: {  	s5 =	simm.s32 @p1 $0x1;
	p0 =	seq.s32 s7, s2  }
0x1e: {  	s7 =	smul.u32 @!p0 $0xF7A, s2;
	p2 =	seq.s32 @!p0 s5, $0x0  }
0x1f: {  	s9 =	smul.u32 $0xF7A, s1;
	s8 =	simm.s32 @!p0 $0x1BF5;
	p2 =	por !p2, p0  }
0x20: {  	[sflag:s8] =	ssyncset.s32 @!p0 $0xFFFFF086;
	s6 =	sadd.s32 @!p0 s3, s7;
	s7 =	simm.s32 @!p0 $0x108  }
0x21: {  	s3 =	sadd.s32 s3, s9;
	s6 =	sadd.s32 @!p0 $0x88, s6;
	s7 =	simm.s32 @p2 $0x1082  }
0x22: {  	[simem:s7], [sflag:s8] =	dma.local @!p0 [hbm:s6], $0xF7A  }
0x23: {  	s9 =	sor.u32 $0xD0000000, s2;
	s6 =	simm.s32 $0x108;
	_ =	swait.ge @!p0 [sflag:s8], $0x0  }
0x24: {  	s3 =	sadd.s32 $0x88, s3;
	s6 =	simm.s32 @!p1 $0x1082;
	[sflag:s4] =	ssyncset.s32 $0xFFFFF086  }
0x25: {  	[simem:s6], [sflag:s4] =	dma.local [hbm:s3], $0xF7A  }
0x26: {  	[smem:$0x3F97] =	sst s1;
	(tag) =	ssettag s2;
	_ =	strace s9  }
0x27: {  	s1 =	sld [smem:$0x3FA7]  }
0x28: {  	s2 =	sld [smem:$0x3FA8]  }
0x29: {  	s4 =	sld [smem:$0x3FAA]  }
0x2a: {  	p0 =	seq.s32 s5, $0x0;
	s5 =	sld [smem:$0x3FAB]  }
0x2b: {  	s6 =	sld [smem:$0x3FAC]  }
0x2c: {  	s7 =	sld [smem:$0x3FAD]  }
0x2d: {  	s3 =	simm.s32 $0x108;
	s8 =	sld [smem:$0x3FAE]  }
0x2e: {  	s3 =	simm.s32 @!p0 $0x1082;
	s9 =	sld [smem:$0x3FAF]  }
0x2f: {  	lr =	sadd.s32 s0, s3;
	s0 =	sld [smem:$0x3FA6]  }
0x30: {  	s3 =	sld [smem:$0x3FA9]  }
0x31: {  	[smem:$0x3FB2] =	sst s10  }
0x32: {  	s10 =	sld [smem:$0x3FB0];
	_ =	sdelay $0x3  }
0x33: {  	p0 =	seq.s32 s10, $0x1;
	s10 =	sld [smem:$0x3FB2];
	_ =	sdelay $0x3  }
0x34: {  	[smem:$0x3FB2] =	sst s10  }
0x35: {  	s10 =	sld [smem:$0x3FB1];
	_ =	sdelay $0x3  }
0x36: {  	p1 =	seq.s32 s10, $0x1;
	s10 =	sld [smem:$0x3FB2];
	_ =	sdelay $0x3  }
0x37: {  	[smem:$0x3FB2] =	sst s10  }
0x38: {  	s10 =	sld [smem:$0x3FB3]  }
0x39: {  	_ = 	snop;
	(pc) =	sbr.ind lr, $3  }
0x3a: {  	_ = 	snop  }
0x3b: {  	_ = 	snop  }
0x3c: {  	p2 =	seq.s32 s10, $0x1;
	s10 =	sld [smem:$0x3FB2]  }
0x3d: {  	_ =	shalt  }
0x3e: {  	_ =	shalt  }
0x3f: {  	_ =	shalt  }
0x40: {  	_ =	shalt  }
0x41: {  	_ =	shalt  }
0x42: {  	_ =	shalt  }
0x43: {  	_ =	shalt  }
0x44: {  	_ =	shalt  }
0x45: {  	_ =	shalt  }
0x46: {  	_ =	shalt  }
0x47: {  	_ =	shalt  }
0x48: {  	_ =	shalt  }
0x49: {  	_ =	shalt  }
0x4a: {  	_ =	shalt  }
0x4b: {  	_ =	shalt  }
0x4c: {  	_ =	shalt  }
0x4d: {  	_ =	shalt  }
0x4e: {  	_ =	shalt  }
0x4f: {  	_ =	shalt  }
0x50: {  	_ =	shalt  }
0x51: {  	_ =	shalt  }
0x52: {  	_ =	shalt  }
0x53: {  	_ =	shalt  }
0x54: {  	_ =	shalt  }
0x55: {  	_ =	shalt  }
0x56: {  	_ =	shalt  }
0x57: {  	_ =	shalt  }
0x58: {  	_ =	shalt  }
0x59: {  	_ =	shalt  }
0x5a: {  	_ =	shalt  }
0x5b: {  	_ =	shalt  }
0x5c: {  	_ =	shalt  }
0x5d: {  	_ =	shalt  }
0x5e: {  	_ =	shalt  }
0x5f: {  	_ =	shalt  }
0x60: {  	_ =	shalt  }
0x61: {  	_ =	shalt  }
0x62: {  	_ =	shalt  }
0x63: {  	_ =	shalt  }
0x64: {  	_ =	shalt  }
0x65: {  	_ =	shalt  }
0x66: {  	_ =	shalt  }
0x67: {  	_ =	shalt  }
0x68: {  	_ =	shalt  }
0x69: {  	_ =	shalt  }
0x6a: {  	_ =	shalt  }
0x6b: {  	_ =	shalt  }
0x6c: {  	_ =	shalt  }
0x6d: {  	_ =	shalt  }
0x6e: {  	_ =	shalt  }
0x6f: {  	_ =	shalt  }
0x70: {  	_ =	shalt  }
0x71: {  	_ =	shalt  }
0x72: {  	_ =	shalt  }
0x73: {  	_ =	shalt  }
0x74: {  	_ =	shalt  }
0x75: {  	_ =	shalt  }
0x76: {  	_ =	shalt  }
0x77: {  	_ =	shalt  }
0x78: {  	_ =	shalt  }
0x79: {  	_ =	shalt  }
0x7a: {  	_ =	shalt  }
0x7b: {  	_ =	shalt  }
0x7c: {  	_ =	shalt  }
0x7d: {  	_ =	shalt  }
0x7e: {  	_ =	shalt  }
0x7f: {  	_ =	shalt  }
0x80: {  	_ =	shalt  }
0x81: {  	_ =	shalt  }
0x82: {  	_ =	shalt  }
0x83: {  	_ =	shalt  }
0x84: {  	_ =	shalt  }
0x85: {  	_ =	shalt  }
0x86: {  	_ =	shalt  }
0x87: {  	_ =	shalt  }
.Lfunc_end0:
.L_simem_size_0:
called_computation.2_lowered:
.L_overlay_start_0:
0x88: {  	s2 =	sld [smem:$0x3FD9]  }
0x89: {  	s3 =	sld [smem:$0x3FFE];
	_ =	sdelay $0x1  }
0x8a: {  	s1 =	srdreg.scid  }
0x8b: {  	s0 =	sand.u32 $0x1, s1  }
0x8c: {  	s16 =	sshll.u32 s0, $0xA;
	s2 =	sadd.s32 s3, s2  }
0x8d: {  	s2 =	sadd.s32 s2, s16  }
0x8e: {  	[smem:$0x3FBE] =	sst s2  }
0x8f: {  	_ = 	snop  }
0x90: {  	(tm) =	ssettm $0x1  }
0x91: {  	s17 =	sld [smem:$0x3FFB];
	_ =	sdelay $0x3  }
0x92: {  	_ =	strace s17  }
0x93: {  	s2 =	sld [smem:$0x3FFC];
	_ =	sdelay $0x3  }
0x94: {  	_ =	strace s2  }
0x95: {  	s2 =	sld [smem:$0x3FFD];
	_ =	sdelay $0x3  }
0x96: {  	_ =	strace s2  }
0x97: {  	_ =	strace $0x8FFFFFFF  }
0x98: {  	s18 =	sld [smem:$0x3FDB];
	_ =	sdelay $0x1  }
0x99: {  	s19 =	simm.s32 $_scs_section_size  }
0x9a: {  	s4 =	simm.s32 $_size__tile_overlayer_lowered;
	s5 =	simm.s32 $_tile_overlayer_lowered  }
0x9b: {  	s22 =	simm.s32 $0x1BFF;
	s21 =	sshll.u32 s5, $0x1;
	s2 =	sadd.s32 s19, s18  }
0x9c: {  	s6 =	simm.s32 $0x0;
	s20 =	sshll.u32 s4, $0x1;
	s4 =	sadd.s32 s21, s2  }
0x9d: {  	[timem:s6], [sflag:s22] =	dma.local [hbm:s4], s20  }
0x9e: {  	_ =	swait.ge [sflag:s22], s20  }
0x9f: {  	s3 =	ssub.s32 $0x0, s20;
	[sflag:s22] =	ssyncset.done $0x0  }
0xa0: {  	[sflag:s22] =	ssyncadd.s32 s3;
	_ =	sdelay $0x1  }
0xa1: {  	s23 =	simm.s32 $0x1B8B  }
0xa2: {  	_ =	swait.ge [sflag:s23], $0x1  }
0xa3: {  	[sflag:s23] =	ssyncset.done $0x0  }
0xa4: {  	s25 =	simm.s32 $0x1B8E;
	s24 =	sld [smem:$0x3FFE];
	[sflag:s23] =	ssyncadd.s32 $0xFFFFFFFF  }
0xa5: {  	s26 =	simm.s32 $execute0_lowered;
	[smem:$0x3FD2] =	sst s25  }
0xa6: {  	s4 =	sshll.u32 s26, $0x1;
	_ =	strace $0x8000004C;
	[dreg:$0x1] =	wrdreg $0xFFFFFFFF  }
0xa7: {  	s28 =	simm.s32 $_size_execute0_lowered;
	s2 =	sadd.s32 s2, s4;
	[dreg:$0x0] =	wrdreg $0x0  }
0xa8: {  	s4 =	sshll.u32 s28, $0x1;
	[dreg:$0x2] =	wrdreg s2  }
0xa9: {  	[dreg:$0x3] =	wrdreg s4  }
0xaa: {  	[dreg:$0x4] =	wrdreg $0xC0  }
0xab: {  	_ =	task [dreg:s6], $0x5FFFF  }
0xac: {  	[dreg:$0x1] =	wrdreg $0xFFFFFFFF  }
0xad: {  	[dreg:$0x0] =	wrdreg $0x60  }
0xae: {  	[dreg:$0x2] =	wrdreg s24  }
0xaf: {  	[dreg:$0x3] =	wrdreg $0x90000  }
0xb0: {  	[dreg:$0x4] =	wrdreg $0x9  }
0xb1: {  	_ =	task.clear_ibuf [dreg:s6], $0x5FFFF;
	_ =	strace $0x9000004C  }
0xb2: {  	s29 =	simm.s32 $0x9;
	_ =	strace $0x8000004E  }
0xb3: {  	_ =	swait.ge [sflag:s29], $0x1  }
0xb4: {  	[sflag:s29] =	ssyncadd.s32 $0xFFFFFFFF  }
0xb5: {  	_ =	strace $0x9000004E  }
0xb6: {  	_ =	sfence  }
0xb7: {  	s30 =	sld [smem:$0x0];
	_ =	sdelay $0x2  }
0xb8: {  	s31 =	sshll.u32 s1, $0xD;
	s1 =	sshrl.u32 s1, $0x2  }
0xb9: {  	s3 =	sand.u32 $0x4000, s31;
	s1 =	sadd.s32 s1, s30  }
0xba: {  	s0 =	sor.u32 s3, s0;
	s1 =	sshll.u32 s1, $0x11  }
0xbb: {  	s0 =	sor.u32 s1, s0  }
0xbc: {  	s0 =	sadd.s32 $0x8F2B, s0  }
0xbd: {  	[sflag:s0] =	ssyncadd.remote.s32 $0x1  }
0xbe: {  	_ =	sfence.sel $0xFFFF  }
0xbf: {  	[dreg:$0x0] =	wrdreg $0xFFFFFFFF;
	(pc) =	sbr.abs _section_cstart, $3  }
0xc0: {  	[dreg:$0x1] =	wrdreg $0xFFFFFFFF  }
0xc1: {  	_ =	task.clear_ibuf [dreg:s6], $0x2FFFF;
	_ =	strace $0x9FFFFFFF  }
0xc2: {  	(tm) =	ssettm $0x7FFFFFFF  }
0xc3: {  	_ =	shalt  }
tec
execute0_lowered:
.L_overlay_start_1:
0x0: {  	(tag) =	ssettag $0x1  }
0x1: {  	s0 =	srdreg.scid;
	s6 =	rddreg [dreg:$0x0]  }
0x2: {  	s22 =	stileid.u32;
	s1 =	rddreg [dreg:$0x1]  }
0x3: {  	s2 =	simm.s32 $0x0;
	s12 =	simm.s32 $0x5;
	s13 =	simm.s32 $0x2800  }
0x4: {  	s14 =	simm.s32 $0x80;
	s15 =	simm.s32 $0x5000;
	s16 =	simm.s32 $0x1  }
0x5: {  	s17 =	simm.s32 $0x7000;
	s18 =	simm.s32 $0x2;
	s19 =	simm.s32 $0x2880  }
0x6: {  	s20 =	simm.s32 $0x3;
	s21 =	simm.s32 $0x100;
	s24 =	simm.s32 $0x0  }
0x7: {  	s5 =	sand.u32 $0x1, s0;
	[smem:$0x7FF] =	sst s2;
	s4 =	sadd.s32 $0x29E00, s6  }
0x8: {  	p0 =	seq.s32 s22, $0x0;
	p2 =	sne.s32 s22, $0x0;
	s0 =	sshll.u32 s5, $0x4  }
0x9: {  	s8 =	smul.u32 $0x13880, s5;
	s30 =	ssub.s32 $0x2, s5;
	p1 =	seq.s32 s5, $0x1  }
0xa: {  	s31 =	sor.u32 s5, s22;
	s23 =	sshrl.u32 @!p2 s1, $0x3;
	s3 =	sor.u32 s22, s0  }
0xb: {  	s0 =	rddreg [dreg:$0x2];
	_ =	strace $0x8000004D;
	s9 =	sshrl.u32 s30, $0x1  }
0xc: {  	p0 =	por !p0, !p1;
	p1 =	sne.s32 s31, $0x0;
	s7 =	smul.u32 $0x500, s3  }
.Ltmp0:
0xd: {  	s3 =	sadd.s32 $0x16400, s6;
	s8 =	sadd.s32 s8, s6;
	(pc) =	sbr.rel .LBB2_1-.Ltmp0, $4  }
0xe: {  	s9 =	ssub.s32 s30, s9;
	p0 =	por !p0, !p0;
	s10 =	sshll.u32 @!p1 s22, $0x6  }
0xf: {  	s22 =	simm.s32 $0x4;
	s11 =	sshrl.u32 @p0 s1, $0x3;
	s7 =	sadd.s32 s7, s6  }
0x10: {  	s5 =	sadd.s32 $0xC400, s7;
	s6 =	sadd.s32 $0x2400, s7;
	s7 =	sadd.s32 $0x3D800, s8  }
0x11: {  	s8 =	smax.u32 s9, $0x1;
	s9 =	sor.u32 @!p1 $0x1C05, s10;
	s10 =	sshrl.u32 @!p1 s1, $0x3  }
.LBB2_4:
0x12: {  	_ =	swait.ge [sflag:s22], $0x2000  }
0x13: {  	[sflag:s22] =	ssyncset.done $0x0  }
0x14: {  	s24 =	sadd.s32 $0x1, s24;
	[sflag:s22] =	ssyncadd.s32 $0xFFFFE000  }
0x15: {  	s25 =	simm.s32 @!p2 $0x1C05;
	p3 =	sne.s32 s24, s8;
	[bflag:$0x0] =	sbarrier.arrive $0xFFFF  }
0x16: {  	[hbm:s7], [sflag:s25] =	dma.local @!p2 [spmem:s23], $0x13880  }
.Ltmp1:
0x17: {  	_ = 	snop;
	(pc) =	sbr.rel @!p3 .LBB2_5-.Ltmp1, $4  }
0x18: {  	s25 =	simm.s32 @!p2 $0x5  }
0x19: {  	_ =	swait.ge @!p2 [sflag:s25], $0x13880  }
0x1a: {  	[sflag:s25] =	ssyncset.done @!p2 $0x0  }
0x1b: {  	[sflag:s25] =	ssyncadd.s32 @!p2 $0xFFFEC780  }
.LBB2_1:
0x1c: {  	[spmem:s10], [sflag:s9] =	dma.local @!p1 [hbm:s3], $0x13880  }
0x1d: {  	s25 =	simm.s32 @!p1 $0x5  }
0x1e: {  	_ =	swait.ge @!p1 [sflag:s25], $0x13880  }
0x1f: {  	[sflag:s25] =	ssyncset.done @!p1 $0x0  }
0x20: {  	[sflag:s25] =	ssyncadd.s32 @!p1 $0xFFFEC780;
	s25 =	simm.s32 @p0 $0x1C05  }
0x21: {  	[spmem:s11], [sflag:s25] =	dma.local @p0 [hbm:s4], $0x13880  }
0x22: {  	s25 =	simm.s32 @p0 $0x5  }
0x23: {  	_ =	swait.ge @p0 [sflag:s25], $0x13880  }
0x24: {  	[sflag:s25] =	ssyncset.done @p0 $0x0  }
0x25: {  	[sflag:s25] =	ssyncadd.s32 @p0 $0xFFFEC780  }
0x26: {  	[tilespmem:s2], [sflag:$0x5] =	stream.linear.gather [hbm4b:s5+s2], $0x2800, $0x38;
	[tilespmem:$0x12C80] =	vst v63  }
0x27: {  	_ =	swait.ge [sflag:s12], $0x2800  }
0x28: {  	[sflag:s12] =	ssyncset.done $0x0  }
0x29: {  	[sflag:s12] =	ssyncadd.s32 $0xFFFFD800  }
0x2a: {  	[tilespmem:s13], [sflag:$0x5] =	stream.linear.gather [hbm4b:s6+s2], $0x2800, $0x38;
	[tilespmem:$0x12C80] =	vst v63  }
0x2b: {  	_ =	swait.ge [sflag:s12], $0x2800  }
0x2c: {  	[sflag:s12] =	ssyncset.done $0x0  }
0x2d: {  	[sflag:s12] =	ssyncadd.s32 $0xFFFFD800  }
0x2e: {  	[bflag:$0x0] =	sbarrier.arrive $0xFFFF  }
0x2f: {  	[tilespmem:s15], [sflag:$0x1] =	stream.indirect.gather [hbm4b:s3+s14], $0x40, s2, s14, $0xb8;
	[tilespmem:$0x12C80] =	vst v63  }
0x30: {  	_ =	swait.ge [sflag:s16], $0x2000  }
0x31: {  	[sflag:s16] =	ssyncset.done $0x0  }
0x32: {  	[sflag:s16] =	ssyncadd.s32 $0xFFFFE000  }
0x33: {  	[spmem:s1] =	stream.indirect.scatter.add.f32 [tilespmem:s15], [sflag:$0x3], $0x40, s13, s14, $0xb8;
	[tilespmem:$0x12C80] =	vst v63  }
0x34: {  	_ = 	snop  }
0x35: {  	[tilespmem:s17], [sflag:$0x2] =	stream.indirect.gather [hbm4b:s3+s14], $0x40, s14, s14, $0xb8;
	[tilespmem:$0x12C80] =	vst v63  }
0x36: {  	_ =	swait.ge [sflag:s18], $0x2000  }
0x37: {  	[sflag:s18] =	ssyncset.done $0x0  }
0x38: {  	[sflag:s18] =	ssyncadd.s32 $0xFFFFE000  }
0x39: {  	[spmem:s1] =	stream.indirect.scatter.add.f32 [tilespmem:s17], [sflag:$0x4], $0x40, s19, s14, $0xb8;
	[tilespmem:$0x12C80] =	vst v63  }
0x3a: {  	_ =	swait.ge [sflag:s20], $0x2000  }
0x3b: {  	[sflag:s20] =	ssyncset.done $0x0  }
0x3c: {  	s25 =	simm.s32 $0xFFFF6800;
	[sflag:s20] =	ssyncadd.s32 $0xFFFFE000  }
0x3d: {  	[tilespmem:s15], [sflag:$0x1] =	stream.indirect.gather [hbm4b:s3+s14], $0x40, s21, s14, $0xb8;
	[tilespmem:$0x12C80] =	vst v63  }
.LBB2_2:
0x3e: {  	_ =	swait.ge [sflag:s16], $0x2000  }
0x3f: {  	s26 =	sshra.s32 s25, $0x2;
	[sflag:s16] =	ssyncset.done $0x0  }
0x40: {  	s28 =	sadd.s32 $0x4F00, s26;
	[sflag:s16] =	ssyncadd.s32 $0xFFFFE000  }
0x41: {  	[spmem:s1] =	stream.indirect.scatter.add.f32 [tilespmem:s15], [sflag:$0x3], $0x40, s28, s14, $0xb8;
	[tilespmem:$0x12C80] =	vst v63  }
0x42: {  	_ =	swait.ge [sflag:s22], $0x2000  }
0x43: {  	[sflag:s22] =	ssyncset.done $0x0  }
0x44: {  	s30 =	sadd.s32 $0x2780, s26;
	[sflag:s22] =	ssyncadd.s32 $0xFFFFE000  }
0x45: {  	[tilespmem:s17], [sflag:$0x2] =	stream.indirect.gather [hbm4b:s3+s14], $0x40, s30, s14, $0xb8;
	[tilespmem:$0x12C80] =	vst v63  }
0x46: {  	_ =	swait.ge [sflag:s18], $0x2000  }
0x47: {  	p3 =	seq.s32 s25, $0x0;
	[sflag:s18] =	ssyncset.done $0x0  }
.Ltmp2:
0x48: {  	s31 =	sadd.s32 $0x4F80, s26;
	[sflag:s18] =	ssyncadd.s32 $0xFFFFE000;
	(pc) =	sbr.rel @p3 .LBB2_4-.Ltmp2, $4  }
0x49: {  	[spmem:s1] =	stream.indirect.scatter.add.f32 [tilespmem:s17], [sflag:$0x4], $0x40, s31, s14, $0xb8;
	[tilespmem:$0x12C80] =	vst v63  }
0x4a: {  	_ =	swait.ge [sflag:s20], $0x2000  }
0x4b: {  	[sflag:s20] =	ssyncset.done $0x0  }
0x4c: {  	[sflag:s20] =	ssyncadd.s32 $0xFFFFE000  }
.Ltmp3:
0x4d: {  	(pc) =	sbr.rel .LBB2_2-.Ltmp3, $3  }
0x4e: {  	_ =	sdelay $0x1  }
0x4f: {  	s26 =	sadd.s32 $0x2800, s26;
	s25 =	sadd.s32 $0x400, s25  }
0x50: {  	[tilespmem:s15], [sflag:$0x1] =	stream.indirect.gather [hbm4b:s3+s14], $0x40, s26, s14, $0xb8;
	[tilespmem:$0x12C80] =	vst v63  }
.LBB2_5:
0x51: {  	_ =	sfence.sel $0x180000  }
0x52: {  	[bflag:$0x0] =	sbarrier.arrive $0xFFFF  }
0x53: {  	_ =	strace $0x9000004D  }
0x54: {  	s0 =	sadd.s32 @!p2 $0x100000, s0;
	[bflag:$0x2] =	sbarrier.arrive $0xFFFF  }
0x55: {  	[sflag:s0] =	ssyncadd.tile.s32 @!p2 $0x1;
	_ =	shalt  }
.Lfunc_end2:
_tile_overlayer_lowered:
.L_overlay_start_2:
0x56: {  	(tag) =	ssettag $0x2  }
0x57: {  	s0 =	rddreg [dreg:$0x0];
	s2 =	stileid.u32  }
0x58: {  	s1 =	rddreg [dreg:$0x1];
	p0 =	sne.s32 s2, $0x0  }
0x59: {  	s3 =	rddreg [dreg:$0x2];
	[bflag:$0x3] =	sbarrier.arrive $0xFFFF;
	s2 =	simm.s32 @!p0 $0x1C05  }
0x5a: {  	[timem:s3], [sflag:s2] =	dma.local @!p0 [hbm:s0], s1  }
0x5b: {  	s0 =	simm.s32 @!p0 $0x5  }
0x5c: {  	_ =	swait.ge @!p0 [sflag:s0], s1  }
0x5d: {  	s1 =	ssub.s32 @!p0 $0x0, s1;
	[sflag:s0] =	ssyncset.done @!p0 $0x0  }
0x5e: {  	[sflag:s0] =	ssyncadd.s32 @!p0 s1  }
0x5f: {  	[bflag:$0x3] =	sbarrier.arrive $0xFFFF  }
0x60: {  	_ =	shalt  }

// kernel: kernel.19.cloned.1.call-start
scs
__scs_entry_jumppad:
0x0: {  	(pc) =	sbr.rel $0x88, $3  }
0x1: {  	(tag) =	ssettag $0x0;
	lr =	simm.s32 $0x1  }
0x2: {  	[smem:$0x3F97] =	sst lr;
	_ =	strace $0xD0000000  }
0x3: {  	_ = 	snop  }
0x4: {  	_ = 	snop  }
0x5: {  	_ = 	snop  }
0x6: {  	_ = 	snop  }
0x7: {  	_ = 	snop  }
__scs_overlays_trampoline_lowered:
0x8: {  	[smem:$0x3FA6] =	sst s0  }
0x9: {  	[smem:$0x3FA7] =	sst s1  }
0xa: {  	[smem:$0x3FA8] =	sst s2  }
0xb: {  	[smem:$0x3FA9] =	sst s3  }
0xc: {  	[smem:$0x3FAA] =	sst s4  }
0xd: {  	[smem:$0x3FAB] =	sst s5  }
0xe: {  	[smem:$0x3FAC] =	sst s6  }
0xf: {  	[smem:$0x3FAD] =	sst s7  }
0x10: {  	[smem:$0x3FAE] =	sst s8  }
0x11: {  	[smem:$0x3FAF] =	sst s9;
	s0 =	simm.s32 @!p0 $0x0  }
0x12: {  	s1 =	sld [smem:$0x3F95];
	s0 =	simm.s32 @p0 $0x1  }
0x13: {  	[smem:$0x3FB0] =	sst s0;
	s0 =	simm.s32 @!p1 $0x0  }
0x14: {  	s2 =	sld [smem:$0x3F94];
	s0 =	simm.s32 @p1 $0x1  }
0x15: {  	[smem:$0x3FB1] =	sst s0;
	s0 =	simm.s32 @!p2 $0x0  }
0x16: {  	s3 =	sld [smem:$0x3FDB];
	s0 =	simm.s32 @p2 $0x1  }
0x17: {  	s4 =	simm.s32 $0x1BF5;
	[smem:$0x3FB3] =	sst s0  }
0x18: {  	s0 =	sld [smem:$0x3F96];
	_ =	swait.ge [sflag:s4], $0x0  }
0x19: {  	s7 =	sld [smem:$0x3F97]  }
0x1a: {  	s8 =	sadd.s32 $0xFFFFE003, lr  }
0x1b: {  	s9 =	sadd.s32 $0xFFFFFEF7, lr;
	s5 =	simm.s32 $0xFFFFFFFF;
	p2 =	slt.u32 s8, $0xFFFFF086  }
0x1c: {  	p1 =	slt.u32 s9, $0xF7A;
	s5 =	simm.s32 @!p2 $0x0  }
0x1d: {  	s5 =	simm.s32 @p1 $0x1;
	p0 =	seq.s32 s7, s2  }
0x1e: {  	s7 =	smul.u32 @!p0 $0xF7A, s2;
	p2 =	seq.s32 @!p0 s5, $0x0  }
0x1f: {  	s9 =	smul.u32 $0xF7A, s1;
	s8 =	simm.s32 @!p0 $0x1BF5;
	p2 =	por !p2, p0  }
0x20: {  	[sflag:s8] =	ssyncset.s32 @!p0 $0xFFFFF086;
	s6 =	sadd.s32 @!p0 s3, s7;
	s7 =	simm.s32 @!p0 $0x108  }
0x21: {  	s3 =	sadd.s32 s3, s9;
	s6 =	sadd.s32 @!p0 $0x88, s6;
	s7 =	simm.s32 @p2 $0x1082  }
0x22: {  	[simem:s7], [sflag:s8] =	dma.local @!p0 [hbm:s6], $0xF7A  }
0x23: {  	s9 =	sor.u32 $0xD0000000, s2;
	s6 =	simm.s32 $0x108;
	_ =	swait.ge @!p0 [sflag:s8], $0x0  }
0x24: {  	s3 =	sadd.s32 $0x88, s3;
	s6 =	simm.s32 @!p1 $0x1082;
	[sflag:s4] =	ssyncset.s32 $0xFFFFF086  }
0x25: {  	[simem:s6], [sflag:s4] =	dma.local [hbm:s3], $0xF7A  }
0x26: {  	[smem:$0x3F97] =	sst s1;
	(tag) =	ssettag s2;
	_ =	strace s9  }
0x27: {  	s1 =	sld [smem:$0x3FA7]  }
0x28: {  	s2 =	sld [smem:$0x3FA8]  }
0x29: {  	s4 =	sld [smem:$0x3FAA]  }
0x2a: {  	p0 =	seq.s32 s5, $0x0;
	s5 =	sld [smem:$0x3FAB]  }
0x2b: {  	s6 =	sld [smem:$0x3FAC]  }
0x2c: {  	s7 =	sld [smem:$0x3FAD]  }
0x2d: {  	s3 =	simm.s32 $0x108;
	s8 =	sld [smem:$0x3FAE]  }
0x2e: {  	s3 =	simm.s32 @!p0 $0x1082;
	s9 =	sld [smem:$0x3FAF]  }
0x2f: {  	lr =	sadd.s32 s0, s3;
	s0 =	sld [smem:$0x3FA6]  }
0x30: {  	s3 =	sld [smem:$0x3FA9]  }
0x31: {  	[smem:$0x3FB2] =	sst s10  }
0x32: {  	s10 =	sld [smem:$0x3FB0];
	_ =	sdelay $0x3  }
0x33: {  	p0 =	seq.s32 s10, $0x1;
	s10 =	sld [smem:$0x3FB2];
	_ =	sdelay $0x3  }
0x34: {  	[smem:$0x3FB2] =	sst s10  }
0x35: {  	s10 =	sld [smem:$0x3FB1];
	_ =	sdelay $0x3  }
0x36: {  	p1 =	seq.s32 s10, $0x1;
	s10 =	sld [smem:$0x3FB2];
	_ =	sdelay $0x3  }
0x37: {  	[smem:$0x3FB2] =	sst s10  }
0x38: {  	s10 =	sld [smem:$0x3FB3]  }
0x39: {  	_ = 	snop;
	(pc) =	sbr.ind lr, $3  }
0x3a: {  	_ = 	snop  }
0x3b: {  	_ = 	snop  }
0x3c: {  	p2 =	seq.s32 s10, $0x1;
	s10 =	sld [smem:$0x3FB2]  }
0x3d: {  	_ =	shalt  }
0x3e: {  	_ =	shalt  }
0x3f: {  	_ =	shalt  }
0x40: {  	_ =	shalt  }
0x41: {  	_ =	shalt  }
0x42: {  	_ =	shalt  }
0x43: {  	_ =	shalt  }
0x44: {  	_ =	shalt  }
0x45: {  	_ =	shalt  }
0x46: {  	_ =	shalt  }
0x47: {  	_ =	shalt  }
0x48: {  	_ =	shalt  }
0x49: {  	_ =	shalt  }
0x4a: {  	_ =	shalt  }
0x4b: {  	_ =	shalt  }
0x4c: {  	_ =	shalt  }
0x4d: {  	_ =	shalt  }
0x4e: {  	_ =	shalt  }
0x4f: {  	_ =	shalt  }
0x50: {  	_ =	shalt  }
0x51: {  	_ =	shalt  }
0x52: {  	_ =	shalt  }
0x53: {  	_ =	shalt  }
0x54: {  	_ =	shalt  }
0x55: {  	_ =	shalt  }
0x56: {  	_ =	shalt  }
0x57: {  	_ =	shalt  }
0x58: {  	_ =	shalt  }
0x59: {  	_ =	shalt  }
0x5a: {  	_ =	shalt  }
0x5b: {  	_ =	shalt  }
0x5c: {  	_ =	shalt  }
0x5d: {  	_ =	shalt  }
0x5e: {  	_ =	shalt  }
0x5f: {  	_ =	shalt  }
0x60: {  	_ =	shalt  }
0x61: {  	_ =	shalt  }
0x62: {  	_ =	shalt  }
0x63: {  	_ =	shalt  }
0x64: {  	_ =	shalt  }
0x65: {  	_ =	shalt  }
0x66: {  	_ =	shalt  }
0x67: {  	_ =	shalt  }
0x68: {  	_ =	shalt  }
0x69: {  	_ =	shalt  }
0x6a: {  	_ =	shalt  }
0x6b: {  	_ =	shalt  }
0x6c: {  	_ =	shalt  }
0x6d: {  	_ =	shalt  }
0x6e: {  	_ =	shalt  }
0x6f: {  	_ =	shalt  }
0x70: {  	_ =	shalt  }
0x71: {  	_ =	shalt  }
0x72: {  	_ =	shalt  }
0x73: {  	_ =	shalt  }
0x74: {  	_ =	shalt  }
0x75: {  	_ =	shalt  }
0x76: {  	_ =	shalt  }
0x77: {  	_ =	shalt  }
0x78: {  	_ =	shalt  }
0x79: {  	_ =	shalt  }
0x7a: {  	_ =	shalt  }
0x7b: {  	_ =	shalt  }
0x7c: {  	_ =	shalt  }
0x7d: {  	_ =	shalt  }
0x7e: {  	_ =	shalt  }
0x7f: {  	_ =	shalt  }
0x80: {  	_ =	shalt  }
0x81: {  	_ =	shalt  }
0x82: {  	_ =	shalt  }
0x83: {  	_ =	shalt  }
0x84: {  	_ =	shalt  }
0x85: {  	_ =	shalt  }
0x86: {  	_ =	shalt  }
0x87: {  	_ =	shalt  }
.Lfunc_end0:
.L_simem_size_0:
called_computation.3_lowered:
.L_overlay_start_0:
0x88: {  	s2 =	sld [smem:$0x3FD9]  }
0x89: {  	s3 =	sld [smem:$0x3FFE];
	_ =	sdelay $0x1  }
0x8a: {  	s1 =	srdreg.scid  }
0x8b: {  	s0 =	sand.u32 $0x1, s1  }
0x8c: {  	s16 =	sshll.u32 s0, $0xA;
	s2 =	sadd.s32 s3, s2  }
0x8d: {  	s2 =	sadd.s32 s2, s16  }
0x8e: {  	[smem:$0x3FBE] =	sst s2  }
0x8f: {  	_ = 	snop  }
0x90: {  	(tm) =	ssettm $0x1  }
0x91: {  	s17 =	sld [smem:$0x3FFB];
	_ =	sdelay $0x3  }
0x92: {  	_ =	strace s17  }
0x93: {  	s2 =	sld [smem:$0x3FFC];
	_ =	sdelay $0x3  }
0x94: {  	_ =	strace s2  }
0x95: {  	s2 =	sld [smem:$0x3FFD];
	_ =	sdelay $0x3  }
0x96: {  	_ =	strace s2  }
0x97: {  	_ =	strace $0x8FFFFFFF  }
0x98: {  	s18 =	sld [smem:$0x3FDB];
	_ =	sdelay $0x1  }
0x99: {  	s19 =	simm.s32 $_scs_section_size  }
0x9a: {  	s4 =	simm.s32 $_size__tile_overlayer_lowered;
	s5 =	simm.s32 $_tile_overlayer_lowered  }
0x9b: {  	s22 =	simm.s32 $0x1BFF;
	s21 =	sshll.u32 s5, $0x1;
	s2 =	sadd.s32 s19, s18  }
0x9c: {  	s6 =	simm.s32 $0x0;
	s20 =	sshll.u32 s4, $0x1;
	s4 =	sadd.s32 s21, s2  }
0x9d: {  	[timem:s6], [sflag:s22] =	dma.local [hbm:s4], s20  }
0x9e: {  	_ =	swait.ge [sflag:s22], s20  }
0x9f: {  	s3 =	ssub.s32 $0x0, s20;
	[sflag:s22] =	ssyncset.done $0x0  }
0xa0: {  	[sflag:s22] =	ssyncadd.s32 s3;
	_ =	sdelay $0x1  }
0xa1: {  	s23 =	simm.s32 $0x1B8B  }
0xa2: {  	_ =	swait.ge [sflag:s23], $0x1  }
0xa3: {  	[sflag:s23] =	ssyncset.done $0x0  }
0xa4: {  	s25 =	simm.s32 $0x1B8E;
	s24 =	sld [smem:$0x3FFE];
	[sflag:s23] =	ssyncadd.s32 $0xFFFFFFFF  }
0xa5: {  	s26 =	simm.s32 $execute0_lowered;
	[smem:$0x3FD2] =	sst s25  }
0xa6: {  	s4 =	sshll.u32 s26, $0x1;
	_ =	strace $0x8000004F;
	[dreg:$0x1] =	wrdreg $0xFFFFFFFF  }
0xa7: {  	s28 =	simm.s32 $_size_execute0_lowered;
	s2 =	sadd.s32 s2, s4;
	[dreg:$0x0] =	wrdreg $0x0  }
0xa8: {  	s4 =	sshll.u32 s28, $0x1;
	[dreg:$0x2] =	wrdreg s2  }
0xa9: {  	[dreg:$0x3] =	wrdreg s4  }
0xaa: {  	[dreg:$0x4] =	wrdreg $0xC0  }
0xab: {  	_ =	task [dreg:s6], $0x5FFFF  }
0xac: {  	[dreg:$0x1] =	wrdreg $0xFFFFFFFF  }
0xad: {  	[dreg:$0x0] =	wrdreg $0x60  }
0xae: {  	[dreg:$0x2] =	wrdreg s24  }
0xaf: {  	[dreg:$0x3] =	wrdreg $0x90000  }
0xb0: {  	[dreg:$0x4] =	wrdreg $0x9  }
0xb1: {  	_ =	task.clear_ibuf [dreg:s6], $0x5FFFF;
	_ =	strace $0x9000004F  }
0xb2: {  	s29 =	simm.s32 $0x9;
	_ =	strace $0x80000051  }
0xb3: {  	_ =	swait.ge [sflag:s29], $0x1  }
0xb4: {  	[sflag:s29] =	ssyncadd.s32 $0xFFFFFFFF  }
0xb5: {  	_ =	strace $0x90000051  }
0xb6: {  	_ =	sfence  }
0xb7: {  	s30 =	sld [smem:$0x0];
	_ =	sdelay $0x2  }
0xb8: {  	s31 =	sshll.u32 s1, $0xD;
	s1 =	sshrl.u32 s1, $0x2  }
0xb9: {  	s3 =	sand.u32 $0x4000, s31;
	s1 =	sadd.s32 s1, s30  }
0xba: {  	s0 =	sor.u32 s3, s0;
	s1 =	sshll.u32 s1, $0x11  }
0xbb: {  	s0 =	sor.u32 s1, s0  }
0xbc: {  	s0 =	sadd.s32 $0x8F2B, s0  }
0xbd: {  	[sflag:s0] =	ssyncadd.remote.s32 $0x1  }
0xbe: {  	_ =	sfence.sel $0xFFFF  }
0xbf: {  	[dreg:$0x0] =	wrdreg $0xFFFFFFFF;
	(pc) =	sbr.abs _section_cstart, $3  }
0xc0: {  	[dreg:$0x1] =	wrdreg $0xFFFFFFFF  }
0xc1: {  	_ =	task.clear_ibuf [dreg:s6], $0x2FFFF;
	_ =	strace $0x9FFFFFFF  }
0xc2: {  	(tm) =	ssettm $0x7FFFFFFF  }
0xc3: {  	_ =	shalt  }
tec
execute0_lowered:
.L_overlay_start_1:
0x0: {  	(tag) =	ssettag $0x1  }
0x1: {  	s0 =	srdreg.scid;
	s6 =	rddreg [dreg:$0x0]  }
0x2: {  	s22 =	stileid.u32;
	s1 =	rddreg [dreg:$0x1]  }
0x3: {  	s2 =	simm.s32 $0x0;
	s12 =	simm.s32 $0x5;
	s13 =	simm.s32 $0x2800  }
0x4: {  	s14 =	simm.s32 $0x80;
	s15 =	simm.s32 $0x5000;
	s16 =	simm.s32 $0x1  }
0x5: {  	s17 =	simm.s32 $0x7000;
	s18 =	simm.s32 $0x2;
	s19 =	simm.s32 $0x2880  }
0x6: {  	s20 =	simm.s32 $0x3;
	s21 =	simm.s32 $0x100;
	s24 =	simm.s32 $0x0  }
0x7: {  	s5 =	sand.u32 $0x1, s0;
	[smem:$0x7FF] =	sst s2;
	s4 =	sadd.s32 $0x29E00, s6  }
0x8: {  	p0 =	seq.s32 s22, $0x0;
	p2 =	sne.s32 s22, $0x0;
	s0 =	sshll.u32 s5, $0x4  }
0x9: {  	s8 =	smul.u32 $0x13880, s5;
	s30 =	ssub.s32 $0x2, s5;
	p1 =	seq.s32 s5, $0x1  }
0xa: {  	s31 =	sor.u32 s5, s22;
	s23 =	sshrl.u32 @!p2 s1, $0x3;
	s3 =	sor.u32 s22, s0  }
0xb: {  	s0 =	rddreg [dreg:$0x2];
	_ =	strace $0x80000050;
	s9 =	sshrl.u32 s30, $0x1  }
0xc: {  	p0 =	por !p0, !p1;
	p1 =	sne.s32 s31, $0x0;
	s7 =	smul.u32 $0x500, s3  }
.Ltmp0:
0xd: {  	s3 =	sadd.s32 $0x16400, s6;
	s8 =	sadd.s32 s8, s6;
	(pc) =	sbr.rel .LBB2_1-.Ltmp0, $4  }
0xe: {  	s9 =	ssub.s32 s30, s9;
	p0 =	por !p0, !p0;
	s10 =	sshll.u32 @!p1 s22, $0x6  }
0xf: {  	s22 =	simm.s32 $0x4;
	s11 =	sshrl.u32 @p0 s1, $0x3;
	s7 =	sadd.s32 s7, s6  }
0x10: {  	s5 =	sadd.s32 $0xC400, s7;
	s6 =	sadd.s32 $0x2400, s7;
	s7 =	sadd.s32 $0x3D800, s8  }
0x11: {  	s8 =	smax.u32 s9, $0x1;
	s9 =	sor.u32 @!p1 $0x1C05, s10;
	s10 =	sshrl.u32 @!p1 s1, $0x3  }
.LBB2_4:
0x12: {  	_ =	swait.ge [sflag:s22], $0x2000  }
0x13: {  	[sflag:s22] =	ssyncset.done $0x0  }
0x14: {  	s24 =	sadd.s32 $0x1, s24;
	[sflag:s22] =	ssyncadd.s32 $0xFFFFE000  }
0x15: {  	s25 =	simm.s32 @!p2 $0x1C05;
	p3 =	sne.s32 s24, s8;
	[bflag:$0x0] =	sbarrier.arrive $0xFFFF  }
0x16: {  	[hbm:s7], [sflag:s25] =	dma.local @!p2 [spmem:s23], $0x13880  }
.Ltmp1:
0x17: {  	_ = 	snop;
	(pc) =	sbr.rel @!p3 .LBB2_5-.Ltmp1, $4  }
0x18: {  	s25 =	simm.s32 @!p2 $0x5  }
0x19: {  	_ =	swait.ge @!p2 [sflag:s25], $0x13880  }
0x1a: {  	[sflag:s25] =	ssyncset.done @!p2 $0x0  }
0x1b: {  	[sflag:s25] =	ssyncadd.s32 @!p2 $0xFFFEC780  }
.LBB2_1:
0x1c: {  	[spmem:s10], [sflag:s9] =	dma.local @!p1 [hbm:s3], $0x13880  }
0x1d: {  	s25 =	simm.s32 @!p1 $0x5  }
0x1e: {  	_ =	swait.ge @!p1 [sflag:s25], $0x13880  }
0x1f: {  	[sflag:s25] =	ssyncset.done @!p1 $0x0  }
0x20: {  	[sflag:s25] =	ssyncadd.s32 @!p1 $0xFFFEC780;
	s25 =	simm.s32 @p0 $0x1C05  }
0x21: {  	[spmem:s11], [sflag:s25] =	dma.local @p0 [hbm:s4], $0x13880  }
0x22: {  	s25 =	simm.s32 @p0 $0x5  }
0x23: {  	_ =	swait.ge @p0 [sflag:s25], $0x13880  }
0x24: {  	[sflag:s25] =	ssyncset.done @p0 $0x0  }
0x25: {  	[sflag:s25] =	ssyncadd.s32 @p0 $0xFFFEC780  }
0x26: {  	[tilespmem:s2], [sflag:$0x5] =	stream.linear.gather [hbm4b:s5+s2], $0x2800, $0x38;
	[tilespmem:$0x12C80] =	vst v63  }
0x27: {  	_ =	swait.ge [sflag:s12], $0x2800  }
0x28: {  	[sflag:s12] =	ssyncset.done $0x0  }
0x29: {  	[sflag:s12] =	ssyncadd.s32 $0xFFFFD800  }
0x2a: {  	[tilespmem:s13], [sflag:$0x5] =	stream.linear.gather [hbm4b:s6+s2], $0x2800, $0x38;
	[tilespmem:$0x12C80] =	vst v63  }
0x2b: {  	_ =	swait.ge [sflag:s12], $0x2800  }
0x2c: {  	[sflag:s12] =	ssyncset.done $0x0  }
0x2d: {  	[sflag:s12] =	ssyncadd.s32 $0xFFFFD800  }
0x2e: {  	[bflag:$0x0] =	sbarrier.arrive $0xFFFF  }
0x2f: {  	[tilespmem:s15], [sflag:$0x1] =	stream.indirect.gather [hbm4b:s3+s14], $0x40, s2, s14, $0xb8;
	[tilespmem:$0x12C80] =	vst v63  }
0x30: {  	_ =	swait.ge [sflag:s16], $0x2000  }
0x31: {  	[sflag:s16] =	ssyncset.done $0x0  }
0x32: {  	[sflag:s16] =	ssyncadd.s32 $0xFFFFE000  }
0x33: {  	[spmem:s1] =	stream.indirect.scatter.add.f32 [tilespmem:s15], [sflag:$0x3], $0x40, s13, s14, $0xb8;
	[tilespmem:$0x12C80] =	vst v63  }
0x34: {  	_ = 	snop  }
0x35: {  	[tilespmem:s17], [sflag:$0x2] =	stream.indirect.gather [hbm4b:s3+s14], $0x40, s14, s14, $0xb8;
	[tilespmem:$0x12C80] =	vst v63  }
0x36: {  	_ =	swait.ge [sflag:s18], $0x2000  }
0x37: {  	[sflag:s18] =	ssyncset.done $0x0  }
0x38: {  	[sflag:s18] =	ssyncadd.s32 $0xFFFFE000  }
0x39: {  	[spmem:s1] =	stream.indirect.scatter.add.f32 [tilespmem:s17], [sflag:$0x4], $0x40, s19, s14, $0xb8;
	[tilespmem:$0x12C80] =	vst v63  }
0x3a: {  	_ =	swait.ge [sflag:s20], $0x2000  }
0x3b: {  	[sflag:s20] =	ssyncset.done $0x0  }
0x3c: {  	s25 =	simm.s32 $0xFFFF6800;
	[sflag:s20] =	ssyncadd.s32 $0xFFFFE000  }
0x3d: {  	[tilespmem:s15], [sflag:$0x1] =	stream.indirect.gather [hbm4b:s3+s14], $0x40, s21, s14, $0xb8;
	[tilespmem:$0x12C80] =	vst v63  }
.LBB2_2:
0x3e: {  	_ =	swait.ge [sflag:s16], $0x2000  }
0x3f: {  	s26 =	sshra.s32 s25, $0x2;
	[sflag:s16] =	ssyncset.done $0x0  }
0x40: {  	s28 =	sadd.s32 $0x4F00, s26;
	[sflag:s16] =	ssyncadd.s32 $0xFFFFE000  }
0x41: {  	[spmem:s1] =	stream.indirect.scatter.add.f32 [tilespmem:s15], [sflag:$0x3], $0x40, s28, s14, $0xb8;
	[tilespmem:$0x12C80] =	vst v63  }
0x42: {  	_ =	swait.ge [sflag:s22], $0x2000  }
0x43: {  	[sflag:s22] =	ssyncset.done $0x0  }
0x44: {  	s30 =	sadd.s32 $0x2780, s26;
	[sflag:s22] =	ssyncadd.s32 $0xFFFFE000  }
0x45: {  	[tilespmem:s17], [sflag:$0x2] =	stream.indirect.gather [hbm4b:s3+s14], $0x40, s30, s14, $0xb8;
	[tilespmem:$0x12C80] =	vst v63  }
0x46: {  	_ =	swait.ge [sflag:s18], $0x2000  }
0x47: {  	p3 =	seq.s32 s25, $0x0;
	[sflag:s18] =	ssyncset.done $0x0  }
.Ltmp2:
0x48: {  	s31 =	sadd.s32 $0x4F80, s26;
	[sflag:s18] =	ssyncadd.s32 $0xFFFFE000;
	(pc) =	sbr.rel @p3 .LBB2_4-.Ltmp2, $4  }
0x49: {  	[spmem:s1] =	stream.indirect.scatter.add.f32 [tilespmem:s17], [sflag:$0x4], $0x40, s31, s14, $0xb8;
	[tilespmem:$0x12C80] =	vst v63  }
0x4a: {  	_ =	swait.ge [sflag:s20], $0x2000  }
0x4b: {  	[sflag:s20] =	ssyncset.done $0x0  }
0x4c: {  	[sflag:s20] =	ssyncadd.s32 $0xFFFFE000  }
.Ltmp3:
0x4d: {  	(pc) =	sbr.rel .LBB2_2-.Ltmp3, $3  }
0x4e: {  	_ =	sdelay $0x1  }
0x4f: {  	s26 =	sadd.s32 $0x2800, s26;
	s25 =	sadd.s32 $0x400, s25  }
0x50: {  	[tilespmem:s15], [sflag:$0x1] =	stream.indirect.gather [hbm4b:s3+s14], $0x40, s26, s14, $0xb8;
	[tilespmem:$0x12C80] =	vst v63  }
.LBB2_5:
0x51: {  	_ =	sfence.sel $0x180000  }
0x52: {  	[bflag:$0x0] =	sbarrier.arrive $0xFFFF  }
0x53: {  	_ =	strace $0x90000050  }
0x54: {  	s0 =	sadd.s32 @!p2 $0x100000, s0;
	[bflag:$0x2] =	sbarrier.arrive $0xFFFF  }
0x55: {  	[sflag:s0] =	ssyncadd.tile.s32 @!p2 $0x1;
	_ =	shalt  }
.Lfunc_end2:
_tile_overlayer_lowered:
.L_overlay_start_2:
0x56: {  	(tag) =	ssettag $0x2  }
0x57: {  	s0 =	rddreg [dreg:$0x0];
	s2 =	stileid.u32  }
0x58: {  	s1 =	rddreg [dreg:$0x1];
	p0 =	sne.s32 s2, $0x0  }
0x59: {  	s3 =	rddreg [dreg:$0x2];
	[bflag:$0x3] =	sbarrier.arrive $0xFFFF;
	s2 =	simm.s32 @!p0 $0x1C05  }
0x5a: {  	[timem:s3], [sflag:s2] =	dma.local @!p0 [hbm:s0], s1  }
0x5b: {  	s0 =	simm.s32 @!p0 $0x5  }
0x5c: {  	_ =	swait.ge @!p0 [sflag:s0], s1  }
0x5d: {  	s1 =	ssub.s32 @!p0 $0x0, s1;
	[sflag:s0] =	ssyncset.done @!p0 $0x0  }
0x5e: {  	[sflag:s0] =	ssyncadd.s32 @!p0 s1  }
0x5f: {  	[bflag:$0x3] =	sbarrier.arrive $0xFFFF  }
0x60: {  	_ =	shalt  }

</sc_bundles>
